<compile_context>
chip_gen: v7x
topology: tpu7x:2x2x1
jax: 0.10.2.dev20260603
libtpu: 0.0.44.dev20260713+nightly
codegen_flags: <defaults>
</compile_context>

<pallas_src>
import functools

import jax
import jax.numpy as jnp
from jax import lax
from jax.experimental import pallas as pl
from jax.experimental.pallas import tpu as pltpu
from jax.experimental.pallas import tpu_sc as plsc

N = 10000
E = 320000
D = 128
G = 256
NL = 3

NTILES = 32
ROWS_PER_TILE = 640
NPAD = 16 * ROWS_PER_TILE
TRASH = N

CW = 128
EDGES_PER_TILE = 10240
NCHUNK = EDGES_PER_TILE // CW
EPAD = NTILES * EDGES_PER_TILE

RBLK = 1024
NBLK = NPAD // RBLK


@functools.cache
def _build_sc_agg():
    mesh = plsc.VectorSubcoreMesh(core_axis_name="c", subcore_axis_name="s")

    @functools.partial(
        pl.kernel,
        out_type=jax.ShapeDtypeStruct((2, NPAD, D), jnp.float32),
        mesh=mesh,
        scratch_types=[
            pltpu.VMEM((NCHUNK, CW), jnp.int32),
            pltpu.VMEM((NCHUNK, CW), jnp.int32),
            pltpu.VMEM((CW, D), jnp.float32),
            pltpu.VMEM_SHARED((NPAD, D), jnp.float32),
            pltpu.SemaphoreType.DMA,
        ],
    )
    def sc_agg(h_hbm, src_hbm, dst_hbm, out_hbm, src_v, dst_v, buf, table,
               sem):
        c = lax.axis_index("c")
        s = lax.axis_index("s")
        wid = s * 2 + c
        row0 = s * ROWS_PER_TILE
        pltpu.sync_copy(h_hbm.at[pl.ds(row0, ROWS_PER_TILE)],
                        table.at[pl.ds(row0, ROWS_PER_TILE)])
        pltpu.sync_copy(src_hbm.at[wid], src_v)
        pltpu.sync_copy(dst_hbm.at[wid], dst_v)
        plsc.subcore_barrier()

        def body(j, carry):
            pltpu.async_copy(h_hbm.at[src_v.at[j]], buf, sem).wait()
            pltpu.sync_copy(buf, table.at[dst_v.at[j]], add=True)
            return carry

        lax.fori_loop(0, NCHUNK, body, 0)
        plsc.subcore_barrier()
        pltpu.sync_copy(table.at[pl.ds(row0, ROWS_PER_TILE)],
                        out_hbm.at[c, pl.ds(row0, ROWS_PER_TILE)])

    return sc_agg


def _mlp_block(z, W1_ref, b1_ref, g1_ref, be1_ref, m1_ref, v1_ref,
               W2_ref, b2_ref, go_ref, bo_ref, mo_ref, vo_ref):
    t = jnp.dot(z, W1_ref[...], preferred_element_type=jnp.float32) + b1_ref[...]
    s1 = g1_ref[...] * lax.rsqrt(v1_ref[...] + 1e-5)
    t = (t - m1_ref[...]) * s1 + be1_ref[...]
    t = jnp.maximum(t, 0.0)
    t = jnp.dot(t, W2_ref[...], preferred_element_type=jnp.float32) + b2_ref[...]
    so = go_ref[...] * lax.rsqrt(vo_ref[...] + 1e-5)
    t = (t - mo_ref[...]) * so + bo_ref[...]
    return jnp.maximum(t, 0.0)


def _mlp_kernel(h_ref, p_ref, W1_ref, b1_ref, g1_ref, be1_ref, m1_ref, v1_ref,
                W2_ref, b2_ref, go_ref, bo_ref, mo_ref, vo_ref, o_ref):
    z = p_ref[0] + p_ref[1] - h_ref[...]
    o_ref[...] = _mlp_block(z, W1_ref, b1_ref, g1_ref, be1_ref, m1_ref, v1_ref,
                            W2_ref, b2_ref, go_ref, bo_ref, mo_ref, vo_ref)


def _row_spec():
    return pl.BlockSpec((RBLK, D), lambda i: (i, 0))


def _full_spec(shape):
    nd = len(shape)
    return pl.BlockSpec(shape, lambda i: (0,) * nd)


_PARAM_SPECS = [_full_spec((D, D)), _full_spec((1, D)), _full_spec((1, D)),
                _full_spec((1, D)), _full_spec((1, D)), _full_spec((1, D)),
                _full_spec((D, D)), _full_spec((1, D)), _full_spec((1, D)),
                _full_spec((1, D)), _full_spec((1, D)), _full_spec((1, D))]


def _mlp_call(hp, p, params):
    return pl.pallas_call(
        _mlp_kernel,
        grid=(NBLK,),
        in_specs=[_row_spec(),
                  pl.BlockSpec((2, RBLK, D), lambda i: (0, i, 0))] + _PARAM_SPECS,
        out_specs=_row_spec(),
        out_shape=jax.ShapeDtypeStruct((NPAD, D), jnp.float32),
    )(hp, p, *params)


def _final_kernel(h_ref, p_ref, b3_ref, W1_ref, b1_ref, g1_ref, be1_ref,
                  m1_ref, v1_ref, W2_ref, b2_ref, go_ref, bo_ref, mo_ref,
                  vo_ref, Wp_ref, bp_ref, o_ref, seg_ref, cnt_ref):
    i = pl.program_id(0)
    z = p_ref[0] + p_ref[1] - h_ref[...]
    hL = _mlp_block(z, W1_ref, b1_ref, g1_ref, be1_ref, m1_ref, v1_ref,
                    W2_ref, b2_ref, go_ref, bo_ref, mo_ref, vo_ref)
    bvec = b3_ref[0, 0, :]
    gid = lax.broadcasted_iota(jnp.int32, (G, RBLK), 0)
    onehot = (gid == bvec[None, :]).astype(jnp.float32)

    @pl.when(i == 0)
    def _():
        seg_ref[...] = jnp.zeros_like(seg_ref)
        cnt_ref[...] = jnp.zeros_like(cnt_ref)

    seg_ref[...] += jnp.dot(onehot, hL, preferred_element_type=jnp.float32)
    cnt_ref[...] += jnp.sum(onehot, axis=1, keepdims=True)

    @pl.when(i == NBLK - 1)
    def _():
        mean = seg_ref[...] / jnp.maximum(cnt_ref[...], 1.0)
        o_ref[...] = (jnp.dot(mean, Wp_ref[...],
                              preferred_element_type=jnp.float32) + bp_ref[...])


def _final_call(hp, p, batch3, params, Wp, bp):
    return pl.pallas_call(
        _final_kernel,
        grid=(NBLK,),
        in_specs=[_row_spec(),
                  pl.BlockSpec((2, RBLK, D), lambda i: (0, i, 0)),
                  pl.BlockSpec((1, 1, RBLK), lambda i: (i, 0, 0))]
                 + _PARAM_SPECS + [_full_spec((D, D)), _full_spec((1, D))],
        out_specs=_full_spec((G, D)),
        out_shape=jax.ShapeDtypeStruct((G, D), jnp.float32),
        scratch_shapes=[pltpu.VMEM((G, D), jnp.float32),
                        pltpu.VMEM((G, 1), jnp.float32)],
    )(hp, p, batch3, *params, Wp, bp)


def kernel(x, edge_index, batch, W1, b1, g1, be1, m1, v1, W2, b2, go, bo, mo,
           vo, Wp, bp):
    h = x.astype(jnp.float32)
    src = edge_index[0].astype(jnp.int32)
    dst = edge_index[1].astype(jnp.int32)
    pad_e = EPAD - E
    src_p = jnp.concatenate([src, jnp.zeros((pad_e,), jnp.int32)]
                            ).reshape(NTILES, NCHUNK, CW)
    dst_p = jnp.concatenate([dst, jnp.full((pad_e,), TRASH, jnp.int32)]
                            ).reshape(NTILES, NCHUNK, CW)
    batch3 = jnp.concatenate([batch.astype(jnp.int32),
                              jnp.full((NPAD - N,), G, jnp.int32)]
                             ).reshape(NBLK, 1, RBLK)
    hp = jnp.concatenate([h, jnp.zeros((NPAD - N, D), jnp.float32)], axis=0)
    for i in range(NL):
        params = [W1[i], b1[i].reshape(1, D), g1[i].reshape(1, D),
                  be1[i].reshape(1, D), m1[i].reshape(1, D),
                  v1[i].reshape(1, D), W2[i], b2[i].reshape(1, D),
                  go[i].reshape(1, D), bo[i].reshape(1, D),
                  mo[i].reshape(1, D), vo[i].reshape(1, D)]
        p = _build_sc_agg()(hp, src_p, dst_p)
        if i < NL - 1:
            hp = _mlp_call(hp, p, params)
        else:
            out = _final_call(hp, p, batch3, params, Wp, bp.reshape(1, D))
    return out

# --- scband reference (transcript-rebuilt; emitter-appended) ---
"""Pipeline reference for scband-mpnnencoder-67877663146442 (READ-ONLY COPY).

The authoritative reference and input builder live on the scoring server;
editing this copy changes nothing except your own understanding.
"""

import jax, jax.numpy as jnp
import numpy as np


def _bn(h, g, b, m, v):
    return (h - m) / jnp.sqrt(v + 1e-5) * g + b


def setup_inputs(seed: int = 0) -> dict:
    key = jax.random.key(seed)
    ks = jax.random.split(key, 20)
    N, E, D, H, O, G, L = 10000, 320000, 128, 128, 128, 256, 3
    s = 0.08
    inp = {}
    inp["x"] = jax.random.normal(ks[0], (N, D), dtype=jnp.float32)
    inp["edge_index"] = jax.random.randint(ks[1], (2, E), 0, N)
    inp["batch"] = jnp.sort(jax.random.randint(ks[2], (N,), 0, G))
    # per-layer GIN MLP params: Linear(D->H), BN(H), ReLU, Linear(H->H); then outer BN(H)
    inp["W1"] = jax.random.normal(ks[3], (L, D, H), dtype=jnp.float32) * s
    inp["b1"] = jax.random.normal(ks[4], (L, H), dtype=jnp.float32) * 0.01
    inp["g1"] = 1.0 + 0.1 * jax.random.normal(ks[5], (L, H), dtype=jnp.float32)
    inp["be1"] = 0.1 * jax.random.normal(ks[6], (L, H), dtype=jnp.float32)
    inp["m1"] = 0.1 * jax.random.normal(ks[7], (L, H), dtype=jnp.float32)
    inp["v1"] = jax.random.uniform(ks[8], (L, H), minval=0.5, maxval=1.5, dtype=jnp.float32)
    inp["W2"] = jax.random.normal(ks[9], (L, H, H), dtype=jnp.float32) * s
    inp["b2"] = jax.random.normal(ks[10], (L, H), dtype=jnp.float32) * 0.01
    inp["go"] = 1.0 + 0.1 * jax.random.normal(ks[11], (L, H), dtype=jnp.float32)
    inp["bo"] = 0.1 * jax.random.normal(ks[12], (L, H), dtype=jnp.float32)
    inp["mo"] = 0.1 * jax.random.normal(ks[13], (L, H), dtype=jnp.float32)
    inp["vo"] = jax.random.uniform(ks[14], (L, H), minval=0.5, maxval=1.5, dtype=jnp.float32)
    inp["Wp"] = jax.random.normal(ks[15], (H, O), dtype=jnp.float32) * s
    inp["bp"] = jax.random.normal(ks[16], (O,), dtype=jnp.float32) * 0.01
    return inp


def reference(x, edge_index, batch, W1, b1, g1, be1, m1, v1, W2, b2, go, bo, mo, vo, Wp, bp):
    # GIN encoder, eval mode (BN uses running stats; dropout is identity)
    N = x.shape[0]
    G = 256
    src = edge_index[0]
    dst = edge_index[1]
    h = x.astype(jnp.float32)
    L = W1.shape[0]
    for i in range(L):
        # GINConv with eps=0: mlp((1+eps)*x + sum_{j in N(i)} x_j)
        agg = jax.ops.segment_sum(h[src], dst, num_segments=N)
        z = h + agg
        z = z @ W1[i] + b1[i]
        z = _bn(z, g1[i], be1[i], m1[i], v1[i])
        z = jax.nn.relu(z)
        z = z @ W2[i] + b2[i]
        # outer BatchNorm + ReLU (dropout = identity in eval)
        z = _bn(z, go[i], bo[i], mo[i], vo[i])
        h = jax.nn.relu(z)
    # global mean pool over graphs
    sums = jax.ops.segment_sum(h, batch, num_segments=G)
    cnt = jax.ops.segment_sum(jnp.ones((N,), jnp.float32), batch, num_segments=G)
    mean = sums / jnp.maximum(cnt, 1.0)[:, None]
    return mean @ Wp + bp

if __name__ == "__main__":
    import jax
    _d = setup_inputs()
    print(jax.jit(kernel)(*tuple(_d.values())))

</pallas_src>

<mosaic_0001>
#map = affine_map<(d0, d1) -> (0, 0)>
#map1 = affine_map<(d0, d1) -> (0, 0, 0)>
module attributes {stable_mosaic.version = 14 : i64} {
  func.func @sc_agg(%arg0: i32, %arg1: i32, %arg2: memref<10240x128xf32, #tpu.memory_space<hbm>>, %arg3: memref<32x80x128xi32, #tpu.memory_space<hbm>>, %arg4: memref<32x80x128xi32, #tpu.memory_space<hbm>>, %arg5: memref<2x10240x128xf32, #tpu.memory_space<hbm>>, %arg6: memref<80x128xi32, #tpu.memory_space<vmem>>, %arg7: memref<80x128xi32, #tpu.memory_space<vmem>>, %arg8: memref<128x128xf32, #tpu.memory_space<vmem>>, %arg9: memref<10240x128xf32, #tpu.memory_space<vmem_shared>>, %arg10: memref<!tpu.dma_semaphore, #tpu.memory_space<semaphore_mem>>) attributes {dimension_semantics = [#tpu.dimension_semantics<core_parallel>, #tpu.dimension_semantics<subcore_parallel>], iteration_bounds = array<i64: 2, 16>, scalar_prefetch = 0 : i64, scratch_operands = 5 : i64, tpu.core_type = #tpu.core_type<sc_vector_subcore>, window_params = [{transform_indices = #map}, {transform_indices = #map1}, {transform_indices = #map1}, {transform_indices = #map1}]} {
    %mul3A = arith.constant 2 : i32
    %mul3A_0 = arith.muli %arg1, %mul3A : i32
    %add3A = arith.addi %mul3A_0, %arg0 : i32
    %mul3A_1 = arith.constant 640 : i32
    %mul3A_2 = arith.muli %arg1, %mul3A_1 : i32
    "tpu.region"() ({
      %run_scoped3A = tpu.sem_alloc : memref<!tpu.dma_semaphore, #tpu.memory_space<semaphore_mem>>
      %dma_start3A = arith.constant 0 : i32
      %dma_start3A_9 = tpu.memref_slice %arg9[%mul3A_2, %dma_start3A] : memref<10240x128xf32, #tpu.memory_space<vmem_shared>> -> memref<640x128xf32, #tpu.memory_space<vmem_shared>>
      %dma_start3A_10 = arith.constant 0 : i32
      %dma_start3A_11 = tpu.memref_slice %arg2[%mul3A_2, %dma_start3A_10] : memref<10240x128xf32, #tpu.memory_space<hbm>> -> memref<640x128xf32, #tpu.memory_space<hbm>>
      tpu.enqueue_dma source(%dma_start3A_11 : memref<640x128xf32, #tpu.memory_space<hbm>>) target(%dma_start3A_9 : memref<640x128xf32, #tpu.memory_space<vmem_shared>>) target_semaphore(%run_scoped3A : memref<!tpu.dma_semaphore, #tpu.memory_space<semaphore_mem>>)
      %dma_wait3A = arith.constant 0 : i32
      %dma_wait3A_12 = tpu.memref_slice %arg9[%mul3A_2, %dma_wait3A] : memref<10240x128xf32, #tpu.memory_space<vmem_shared>> -> memref<640x128xf32, #tpu.memory_space<vmem_shared>>
      %dma_wait3A_13 = arith.constant 0 : i32
      %dma_wait3A_14 = tpu.memref_slice %arg2[%mul3A_2, %dma_wait3A_13] : memref<10240x128xf32, #tpu.memory_space<hbm>> -> memref<640x128xf32, #tpu.memory_space<hbm>>
      tpu.wait_dma2 semaphore(%run_scoped3A : memref<!tpu.dma_semaphore, #tpu.memory_space<semaphore_mem>>) src(%dma_wait3A_14 : memref<640x128xf32, #tpu.memory_space<hbm>>) dst(%dma_wait3A_12 : memref<640x128xf32, #tpu.memory_space<vmem_shared>>)
      tpu.yield
    }) : () -> ()
    "tpu.region"() ({
      %run_scoped3A = tpu.sem_alloc : memref<!tpu.dma_semaphore, #tpu.memory_space<semaphore_mem>>
      %dma_start3A = arith.constant 0 : i32
      %dma_start3A_9 = arith.constant 0 : i32
      %dma_start3A_10 = tpu.memref_slice %arg3[%add3A, %dma_start3A, %dma_start3A_9] : memref<32x80x128xi32, #tpu.memory_space<hbm>> -> memref<1x80x128xi32, #tpu.memory_space<hbm>>
      %dma_start3A_11 = tpu.memref_squeeze %dma_start3A_10 : memref<1x80x128xi32, #tpu.memory_space<hbm>> -> memref<80x128xi32, #tpu.memory_space<hbm>>
      %dma_start3A_12 = arith.constant 0 : i32
      %dma_start3A_13 = arith.constant 0 : i32
      %dma_start3A_14 = tpu.memref_slice %arg3[%add3A, %dma_start3A_12, %dma_start3A_13] : memref<32x80x128xi32, #tpu.memory_space<hbm>> -> memref<1x80x128xi32, #tpu.memory_space<hbm>>
      %dma_start3A_15 = tpu.memref_squeeze %dma_start3A_14 : memref<1x80x128xi32, #tpu.memory_space<hbm>> -> memref<80x128xi32, #tpu.memory_space<hbm>>
      tpu.enqueue_dma source(%dma_start3A_15 : memref<80x128xi32, #tpu.memory_space<hbm>>) target(%arg6 : memref<80x128xi32, #tpu.memory_space<vmem>>) target_semaphore(%run_scoped3A : memref<!tpu.dma_semaphore, #tpu.memory_space<semaphore_mem>>)
      %dma_wait3A = arith.constant 0 : i32
      %dma_wait3A_16 = arith.constant 0 : i32
      %dma_wait3A_17 = tpu.memref_slice %arg3[%add3A, %dma_wait3A, %dma_wait3A_16] : memref<32x80x128xi32, #tpu.memory_space<hbm>> -> memref<1x80x128xi32, #tpu.memory_space<hbm>>
      %dma_wait3A_18 = tpu.memref_squeeze %dma_wait3A_17 : memref<1x80x128xi32, #tpu.memory_space<hbm>> -> memref<80x128xi32, #tpu.memory_space<hbm>>
      %dma_wait3A_19 = arith.constant 0 : i32
      %dma_wait3A_20 = arith.constant 0 : i32
      %dma_wait3A_21 = tpu.memref_slice %arg3[%add3A, %dma_wait3A_19, %dma_wait3A_20] : memref<32x80x128xi32, #tpu.memory_space<hbm>> -> memref<1x80x128xi32, #tpu.memory_space<hbm>>
      %dma_wait3A_22 = tpu.memref_squeeze %dma_wait3A_21 : memref<1x80x128xi32, #tpu.memory_space<hbm>> -> memref<80x128xi32, #tpu.memory_space<hbm>>
      tpu.wait_dma2 semaphore(%run_scoped3A : memref<!tpu.dma_semaphore, #tpu.memory_space<semaphore_mem>>) src(%dma_wait3A_22 : memref<80x128xi32, #tpu.memory_space<hbm>>) dst(%arg6 : memref<80x128xi32, #tpu.memory_space<vmem>>)
      tpu.yield
    }) : () -> ()
    "tpu.region"() ({
      %run_scoped3A = tpu.sem_alloc : memref<!tpu.dma_semaphore, #tpu.memory_space<semaphore_mem>>
      %dma_start3A = arith.constant 0 : i32
      %dma_start3A_9 = arith.constant 0 : i32
      %dma_start3A_10 = tpu.memref_slice %arg4[%add3A, %dma_start3A, %dma_start3A_9] : memref<32x80x128xi32, #tpu.memory_space<hbm>> -> memref<1x80x128xi32, #tpu.memory_space<hbm>>
      %dma_start3A_11 = tpu.memref_squeeze %dma_start3A_10 : memref<1x80x128xi32, #tpu.memory_space<hbm>> -> memref<80x128xi32, #tpu.memory_space<hbm>>
      %dma_start3A_12 = arith.constant 0 : i32
      %dma_start3A_13 = arith.constant 0 : i32
      %dma_start3A_14 = tpu.memref_slice %arg4[%add3A, %dma_start3A_12, %dma_start3A_13] : memref<32x80x128xi32, #tpu.memory_space<hbm>> -> memref<1x80x128xi32, #tpu.memory_space<hbm>>
      %dma_start3A_15 = tpu.memref_squeeze %dma_start3A_14 : memref<1x80x128xi32, #tpu.memory_space<hbm>> -> memref<80x128xi32, #tpu.memory_space<hbm>>
      tpu.enqueue_dma source(%dma_start3A_15 : memref<80x128xi32, #tpu.memory_space<hbm>>) target(%arg7 : memref<80x128xi32, #tpu.memory_space<vmem>>) target_semaphore(%run_scoped3A : memref<!tpu.dma_semaphore, #tpu.memory_space<semaphore_mem>>)
      %dma_wait3A = arith.constant 0 : i32
      %dma_wait3A_16 = arith.constant 0 : i32
      %dma_wait3A_17 = tpu.memref_slice %arg4[%add3A, %dma_wait3A, %dma_wait3A_16] : memref<32x80x128xi32, #tpu.memory_space<hbm>> -> memref<1x80x128xi32, #tpu.memory_space<hbm>>
      %dma_wait3A_18 = tpu.memref_squeeze %dma_wait3A_17 : memref<1x80x128xi32, #tpu.memory_space<hbm>> -> memref<80x128xi32, #tpu.memory_space<hbm>>
      %dma_wait3A_19 = arith.constant 0 : i32
      %dma_wait3A_20 = arith.constant 0 : i32
      %dma_wait3A_21 = tpu.memref_slice %arg4[%add3A, %dma_wait3A_19, %dma_wait3A_20] : memref<32x80x128xi32, #tpu.memory_space<hbm>> -> memref<1x80x128xi32, #tpu.memory_space<hbm>>
      %dma_wait3A_22 = tpu.memref_squeeze %dma_wait3A_21 : memref<1x80x128xi32, #tpu.memory_space<hbm>> -> memref<80x128xi32, #tpu.memory_space<hbm>>
      tpu.wait_dma2 semaphore(%run_scoped3A : memref<!tpu.dma_semaphore, #tpu.memory_space<semaphore_mem>>) src(%dma_wait3A_22 : memref<80x128xi32, #tpu.memory_space<hbm>>) dst(%arg7 : memref<80x128xi32, #tpu.memory_space<vmem>>)
      tpu.yield
    }) : () -> ()
    %barrier3A = arith.constant 0 : index
    tpu.barrier barrier_id(%barrier3A)
    %scan3A = arith.constant 0 : i32
    %scan3A_3 = arith.constant 0 : i32
    %scan3A_4 = arith.constant 80 : i32
    %scan3A_5 = arith.addi %scan3A_3, %scan3A_4 : i32
    %scan3A_6 = arith.constant 1 : i32
    scf.for %scan3A_9 = %scan3A_3 to %scan3A_5 step %scan3A_6  : i32 {
      %dma_start3A = arith.constant 0 : i32
      %dma_start3A_10 = tpu.memref_slice %arg6[%scan3A_9, %dma_start3A] : memref<80x128xi32, #tpu.memory_space<vmem>> -> memref<1x128xi32, #tpu.memory_space<vmem>>
      %dma_start3A_11 = tpu.memref_squeeze %dma_start3A_10 : memref<1x128xi32, #tpu.memory_space<vmem>> -> memref<128xi32, #tpu.memory_space<vmem>>
      %dma_start3A_12 = arith.constant 0 : i32
      %dma_start3A_13 = arith.constant 0 : i32
      %dma_start3A_14 = tpu.memref_slice %arg2[%dma_start3A_12, %dma_start3A_13] : memref<10240x128xf32, #tpu.memory_space<hbm>> -> memref<10240x128xf32, #tpu.memory_space<hbm>>
      tpu.enqueue_indirect_dma source(%dma_start3A_14 : memref<10240x128xf32, #tpu.memory_space<hbm>>) target(%arg8 : memref<128x128xf32, #tpu.memory_space<vmem>>) offsets(%dma_start3A_11 : memref<128xi32, #tpu.memory_space<vmem>>) semaphore(%arg10 : memref<!tpu.dma_semaphore, #tpu.memory_space<semaphore_mem>>)
      %dma_wait3A = arith.constant 0 : i32
      %dma_wait3A_15 = tpu.memref_slice %arg6[%scan3A_9, %dma_wait3A] : memref<80x128xi32, #tpu.memory_space<vmem>> -> memref<1x128xi32, #tpu.memory_space<vmem>>
      %dma_wait3A_16 = tpu.memref_squeeze %dma_wait3A_15 : memref<1x128xi32, #tpu.memory_space<vmem>> -> memref<128xi32, #tpu.memory_space<vmem>>
      %dma_wait3A_17 = arith.constant 0 : i32
      %dma_wait3A_18 = arith.constant 0 : i32
      %dma_wait3A_19 = tpu.memref_slice %arg2[%dma_wait3A_17, %dma_wait3A_18] : memref<10240x128xf32, #tpu.memory_space<hbm>> -> memref<10240x128xf32, #tpu.memory_space<hbm>>
      tpu.wait_indirect_dma semaphore(%arg10 : memref<!tpu.dma_semaphore, #tpu.memory_space<semaphore_mem>>) src(%dma_wait3A_19 : memref<10240x128xf32, #tpu.memory_space<hbm>>) dst(%arg8 : memref<128x128xf32, #tpu.memory_space<vmem>>)
      "tpu.region"() ({
        %run_scoped3A = tpu.sem_alloc : memref<!tpu.dma_semaphore, #tpu.memory_space<semaphore_mem>>
        %dma_start3A_20 = arith.constant 0 : i32
        %dma_start3A_21 = tpu.memref_slice %arg7[%scan3A_9, %dma_start3A_20] : memref<80x128xi32, #tpu.memory_space<vmem>> -> memref<1x128xi32, #tpu.memory_space<vmem>>
        %dma_start3A_22 = tpu.memref_squeeze %dma_start3A_21 : memref<1x128xi32, #tpu.memory_space<vmem>> -> memref<128xi32, #tpu.memory_space<vmem>>
        %dma_start3A_23 = arith.constant 0 : i32
        %dma_start3A_24 = arith.constant 0 : i32
        %dma_start3A_25 = tpu.memref_slice %arg9[%dma_start3A_23, %dma_start3A_24] : memref<10240x128xf32, #tpu.memory_space<vmem_shared>> -> memref<10240x128xf32, #tpu.memory_space<vmem_shared>>
        tpu.enqueue_indirect_dma source(%arg8 : memref<128x128xf32, #tpu.memory_space<vmem>>) target(%dma_start3A_25 : memref<10240x128xf32, #tpu.memory_space<vmem_shared>>) offsets(%dma_start3A_22 : memref<128xi32, #tpu.memory_space<vmem>>) semaphore(%run_scoped3A : memref<!tpu.dma_semaphore, #tpu.memory_space<semaphore_mem>>) {add = true}
        %dma_wait3A_26 = arith.constant 0 : i32
        %dma_wait3A_27 = tpu.memref_slice %arg7[%scan3A_9, %dma_wait3A_26] : memref<80x128xi32, #tpu.memory_space<vmem>> -> memref<1x128xi32, #tpu.memory_space<vmem>>
        %dma_wait3A_28 = tpu.memref_squeeze %dma_wait3A_27 : memref<1x128xi32, #tpu.memory_space<vmem>> -> memref<128xi32, #tpu.memory_space<vmem>>
        %dma_wait3A_29 = arith.constant 0 : i32
        %dma_wait3A_30 = arith.constant 0 : i32
        %dma_wait3A_31 = tpu.memref_slice %arg9[%dma_wait3A_29, %dma_wait3A_30] : memref<10240x128xf32, #tpu.memory_space<vmem_shared>> -> memref<10240x128xf32, #tpu.memory_space<vmem_shared>>
        tpu.wait_indirect_dma semaphore(%run_scoped3A : memref<!tpu.dma_semaphore, #tpu.memory_space<semaphore_mem>>) src(%arg8 : memref<128x128xf32, #tpu.memory_space<vmem>>) dst(%dma_wait3A_31 : memref<10240x128xf32, #tpu.memory_space<vmem_shared>>)
        tpu.yield
      }) : () -> ()
    }
    %scan3A_7 = arith.constant 80 : i32
    %barrier3A_8 = arith.constant 0 : index
    tpu.barrier barrier_id(%barrier3A_8)
    "tpu.region"() ({
      %run_scoped3A = tpu.sem_alloc : memref<!tpu.dma_semaphore, #tpu.memory_space<semaphore_mem>>
      %dma_start3A = arith.constant 0 : i32
      %dma_start3A_9 = tpu.memref_slice %arg5[%arg0, %mul3A_2, %dma_start3A] : memref<2x10240x128xf32, #tpu.memory_space<hbm>> -> memref<1x640x128xf32, #tpu.memory_space<hbm>>
      %dma_start3A_10 = tpu.memref_squeeze %dma_start3A_9 : memref<1x640x128xf32, #tpu.memory_space<hbm>> -> memref<640x128xf32, #tpu.memory_space<hbm>>
      %dma_start3A_11 = arith.constant 0 : i32
      %dma_start3A_12 = tpu.memref_slice %arg9[%mul3A_2, %dma_start3A_11] : memref<10240x128xf32, #tpu.memory_space<vmem_shared>> -> memref<640x128xf32, #tpu.memory_space<vmem_shared>>
      tpu.enqueue_dma source(%dma_start3A_12 : memref<640x128xf32, #tpu.memory_space<vmem_shared>>) target(%dma_start3A_10 : memref<640x128xf32, #tpu.memory_space<hbm>>) target_semaphore(%run_scoped3A : memref<!tpu.dma_semaphore, #tpu.memory_space<semaphore_mem>>)
      %dma_wait3A = arith.constant 0 : i32
      %dma_wait3A_13 = tpu.memref_slice %arg5[%arg0, %mul3A_2, %dma_wait3A] : memref<2x10240x128xf32, #tpu.memory_space<hbm>> -> memref<1x640x128xf32, #tpu.memory_space<hbm>>
      %dma_wait3A_14 = tpu.memref_squeeze %dma_wait3A_13 : memref<1x640x128xf32, #tpu.memory_space<hbm>> -> memref<640x128xf32, #tpu.memory_space<hbm>>
      %dma_wait3A_15 = arith.constant 0 : i32
      %dma_wait3A_16 = tpu.memref_slice %arg9[%mul3A_2, %dma_wait3A_15] : memref<10240x128xf32, #tpu.memory_space<vmem_shared>> -> memref<640x128xf32, #tpu.memory_space<vmem_shared>>
      tpu.wait_dma2 semaphore(%run_scoped3A : memref<!tpu.dma_semaphore, #tpu.memory_space<semaphore_mem>>) src(%dma_wait3A_16 : memref<640x128xf32, #tpu.memory_space<vmem_shared>>) dst(%dma_wait3A_14 : memref<640x128xf32, #tpu.memory_space<hbm>>)
      tpu.yield
    }) : () -> ()
    return
  }
}

#map = affine_map<(d0, d1) -> (0, 0)>
#map1 = affine_map<(d0, d1) -> (0, 0, 0)>
module attributes {stable_mosaic.version = 14 : i64} {
  func.func @sc_agg(%arg0: i32, %arg1: i32, %arg2: memref<10240x128xf32, #tpu.memory_space<hbm>>, %arg3: memref<32x80x128xi32, #tpu.memory_space<hbm>>, %arg4: memref<32x80x128xi32, #tpu.memory_space<hbm>>, %arg5: memref<2x10240x128xf32, #tpu.memory_space<hbm>>, %arg6: memref<80x128xi32, #tpu.memory_space<vmem>>, %arg7: memref<80x128xi32, #tpu.memory_space<vmem>>, %arg8: memref<128x128xf32, #tpu.memory_space<vmem>>, %arg9: memref<10240x128xf32, #tpu.memory_space<vmem_shared>>, %arg10: memref<!tpu.dma_semaphore, #tpu.memory_space<semaphore_mem>>) attributes {dimension_semantics = [#tpu.dimension_semantics<core_parallel>, #tpu.dimension_semantics<subcore_parallel>], iteration_bounds = array<i64: 2, 16>, scalar_prefetch = 0 : i64, scratch_operands = 5 : i64, tpu.core_type = #tpu.core_type<sc_vector_subcore>, window_params = [{transform_indices = #map}, {transform_indices = #map1}, {transform_indices = #map1}, {transform_indices = #map1}]} {
    %mul3A = arith.constant 2 : i32
    %mul3A_0 = arith.muli %arg1, %mul3A : i32
    %add3A = arith.addi %mul3A_0, %arg0 : i32
    %mul3A_1 = arith.constant 640 : i32
    %mul3A_2 = arith.muli %arg1, %mul3A_1 : i32
    "tpu.region"() ({
      %run_scoped3A = tpu.sem_alloc : memref<!tpu.dma_semaphore, #tpu.memory_space<semaphore_mem>>
      %dma_start3A = arith.constant 0 : i32
      %dma_start3A_9 = tpu.memref_slice %arg9[%mul3A_2, %dma_start3A] : memref<10240x128xf32, #tpu.memory_space<vmem_shared>> -> memref<640x128xf32, #tpu.memory_space<vmem_shared>>
      %dma_start3A_10 = arith.constant 0 : i32
      %dma_start3A_11 = tpu.memref_slice %arg2[%mul3A_2, %dma_start3A_10] : memref<10240x128xf32, #tpu.memory_space<hbm>> -> memref<640x128xf32, #tpu.memory_space<hbm>>
      tpu.enqueue_dma source(%dma_start3A_11 : memref<640x128xf32, #tpu.memory_space<hbm>>) target(%dma_start3A_9 : memref<640x128xf32, #tpu.memory_space<vmem_shared>>) target_semaphore(%run_scoped3A : memref<!tpu.dma_semaphore, #tpu.memory_space<semaphore_mem>>)
      %dma_wait3A = arith.constant 0 : i32
      %dma_wait3A_12 = tpu.memref_slice %arg9[%mul3A_2, %dma_wait3A] : memref<10240x128xf32, #tpu.memory_space<vmem_shared>> -> memref<640x128xf32, #tpu.memory_space<vmem_shared>>
      %dma_wait3A_13 = arith.constant 0 : i32
      %dma_wait3A_14 = tpu.memref_slice %arg2[%mul3A_2, %dma_wait3A_13] : memref<10240x128xf32, #tpu.memory_space<hbm>> -> memref<640x128xf32, #tpu.memory_space<hbm>>
      tpu.wait_dma2 semaphore(%run_scoped3A : memref<!tpu.dma_semaphore, #tpu.memory_space<semaphore_mem>>) src(%dma_wait3A_14 : memref<640x128xf32, #tpu.memory_space<hbm>>) dst(%dma_wait3A_12 : memref<640x128xf32, #tpu.memory_space<vmem_shared>>)
      tpu.yield
    }) : () -> ()
    "tpu.region"() ({
      %run_scoped3A = tpu.sem_alloc : memref<!tpu.dma_semaphore, #tpu.memory_space<semaphore_mem>>
      %dma_start3A = arith.constant 0 : i32
      %dma_start3A_9 = arith.constant 0 : i32
      %dma_start3A_10 = tpu.memref_slice %arg3[%add3A, %dma_start3A, %dma_start3A_9] : memref<32x80x128xi32, #tpu.memory_space<hbm>> -> memref<1x80x128xi32, #tpu.memory_space<hbm>>
      %dma_start3A_11 = tpu.memref_squeeze %dma_start3A_10 : memref<1x80x128xi32, #tpu.memory_space<hbm>> -> memref<80x128xi32, #tpu.memory_space<hbm>>
      %dma_start3A_12 = arith.constant 0 : i32
      %dma_start3A_13 = arith.constant 0 : i32
      %dma_start3A_14 = tpu.memref_slice %arg3[%add3A, %dma_start3A_12, %dma_start3A_13] : memref<32x80x128xi32, #tpu.memory_space<hbm>> -> memref<1x80x128xi32, #tpu.memory_space<hbm>>
      %dma_start3A_15 = tpu.memref_squeeze %dma_start3A_14 : memref<1x80x128xi32, #tpu.memory_space<hbm>> -> memref<80x128xi32, #tpu.memory_space<hbm>>
      tpu.enqueue_dma source(%dma_start3A_15 : memref<80x128xi32, #tpu.memory_space<hbm>>) target(%arg6 : memref<80x128xi32, #tpu.memory_space<vmem>>) target_semaphore(%run_scoped3A : memref<!tpu.dma_semaphore, #tpu.memory_space<semaphore_mem>>)
      %dma_wait3A = arith.constant 0 : i32
      %dma_wait3A_16 = arith.constant 0 : i32
      %dma_wait3A_17 = tpu.memref_slice %arg3[%add3A, %dma_wait3A, %dma_wait3A_16] : memref<32x80x128xi32, #tpu.memory_space<hbm>> -> memref<1x80x128xi32, #tpu.memory_space<hbm>>
      %dma_wait3A_18 = tpu.memref_squeeze %dma_wait3A_17 : memref<1x80x128xi32, #tpu.memory_space<hbm>> -> memref<80x128xi32, #tpu.memory_space<hbm>>
      %dma_wait3A_19 = arith.constant 0 : i32
      %dma_wait3A_20 = arith.constant 0 : i32
      %dma_wait3A_21 = tpu.memref_slice %arg3[%add3A, %dma_wait3A_19, %dma_wait3A_20] : memref<32x80x128xi32, #tpu.memory_space<hbm>> -> memref<1x80x128xi32, #tpu.memory_space<hbm>>
      %dma_wait3A_22 = tpu.memref_squeeze %dma_wait3A_21 : memref<1x80x128xi32, #tpu.memory_space<hbm>> -> memref<80x128xi32, #tpu.memory_space<hbm>>
      tpu.wait_dma2 semaphore(%run_scoped3A : memref<!tpu.dma_semaphore, #tpu.memory_space<semaphore_mem>>) src(%dma_wait3A_22 : memref<80x128xi32, #tpu.memory_space<hbm>>) dst(%arg6 : memref<80x128xi32, #tpu.memory_space<vmem>>)
      tpu.yield
    }) : () -> ()
    "tpu.region"() ({
      %run_scoped3A = tpu.sem_alloc : memref<!tpu.dma_semaphore, #tpu.memory_space<semaphore_mem>>
      %dma_start3A = arith.constant 0 : i32
      %dma_start3A_9 = arith.constant 0 : i32
      %dma_start3A_10 = tpu.memref_slice %arg4[%add3A, %dma_start3A, %dma_start3A_9] : memref<32x80x128xi32, #tpu.memory_space<hbm>> -> memref<1x80x128xi32, #tpu.memory_space<hbm>>
      %dma_start3A_11 = tpu.memref_squeeze %dma_start3A_10 : memref<1x80x128xi32, #tpu.memory_space<hbm>> -> memref<80x128xi32, #tpu.memory_space<hbm>>
      %dma_start3A_12 = arith.constant 0 : i32
      %dma_start3A_13 = arith.constant 0 : i32
      %dma_start3A_14 = tpu.memref_slice %arg4[%add3A, %dma_start3A_12, %dma_start3A_13] : memref<32x80x128xi32, #tpu.memory_space<hbm>> -> memref<1x80x128xi32, #tpu.memory_space<hbm>>
      %dma_start3A_15 = tpu.memref_squeeze %dma_start3A_14 : memref<1x80x128xi32, #tpu.memory_space<hbm>> -> memref<80x128xi32, #tpu.memory_space<hbm>>
      tpu.enqueue_dma source(%dma_start3A_15 : memref<80x128xi32, #tpu.memory_space<hbm>>) target(%arg7 : memref<80x128xi32, #tpu.memory_space<vmem>>) target_semaphore(%run_scoped3A : memref<!tpu.dma_semaphore, #tpu.memory_space<semaphore_mem>>)
      %dma_wait3A = arith.constant 0 : i32
      %dma_wait3A_16 = arith.constant 0 : i32
      %dma_wait3A_17 = tpu.memref_slice %arg4[%add3A, %dma_wait3A, %dma_wait3A_16] : memref<32x80x128xi32, #tpu.memory_space<hbm>> -> memref<1x80x128xi32, #tpu.memory_space<hbm>>
      %dma_wait3A_18 = tpu.memref_squeeze %dma_wait3A_17 : memref<1x80x128xi32, #tpu.memory_space<hbm>> -> memref<80x128xi32, #tpu.memory_space<hbm>>
      %dma_wait3A_19 = arith.constant 0 : i32
      %dma_wait3A_20 = arith.constant 0 : i32
      %dma_wait3A_21 = tpu.memref_slice %arg4[%add3A, %dma_wait3A_19, %dma_wait3A_20] : memref<32x80x128xi32, #tpu.memory_space<hbm>> -> memref<1x80x128xi32, #tpu.memory_space<hbm>>
      %dma_wait3A_22 = tpu.memref_squeeze %dma_wait3A_21 : memref<1x80x128xi32, #tpu.memory_space<hbm>> -> memref<80x128xi32, #tpu.memory_space<hbm>>
      tpu.wait_dma2 semaphore(%run_scoped3A : memref<!tpu.dma_semaphore, #tpu.memory_space<semaphore_mem>>) src(%dma_wait3A_22 : memref<80x128xi32, #tpu.memory_space<hbm>>) dst(%arg7 : memref<80x128xi32, #tpu.memory_space<vmem>>)
      tpu.yield
    }) : () -> ()
    %barrier3A = arith.constant 0 : index
    tpu.barrier barrier_id(%barrier3A)
    %scan3A = arith.constant 0 : i32
    %scan3A_3 = arith.constant 0 : i32
    %scan3A_4 = arith.constant 80 : i32
    %scan3A_5 = arith.addi %scan3A_3, %scan3A_4 : i32
    %scan3A_6 = arith.constant 1 : i32
    scf.for %scan3A_9 = %scan3A_3 to %scan3A_5 step %scan3A_6  : i32 {
      %dma_start3A = arith.constant 0 : i32
      %dma_start3A_10 = tpu.memref_slice %arg6[%scan3A_9, %dma_start3A] : memref<80x128xi32, #tpu.memory_space<vmem>> -> memref<1x128xi32, #tpu.memory_space<vmem>>
      %dma_start3A_11 = tpu.memref_squeeze %dma_start3A_10 : memref<1x128xi32, #tpu.memory_space<vmem>> -> memref<128xi32, #tpu.memory_space<vmem>>
      %dma_start3A_12 = arith.constant 0 : i32
      %dma_start3A_13 = arith.constant 0 : i32
      %dma_start3A_14 = tpu.memref_slice %arg2[%dma_start3A_12, %dma_start3A_13] : memref<10240x128xf32, #tpu.memory_space<hbm>> -> memref<10240x128xf32, #tpu.memory_space<hbm>>
      tpu.enqueue_indirect_dma source(%dma_start3A_14 : memref<10240x128xf32, #tpu.memory_space<hbm>>) target(%arg8 : memref<128x128xf32, #tpu.memory_space<vmem>>) offsets(%dma_start3A_11 : memref<128xi32, #tpu.memory_space<vmem>>) semaphore(%arg10 : memref<!tpu.dma_semaphore, #tpu.memory_space<semaphore_mem>>)
      %dma_wait3A = arith.constant 0 : i32
      %dma_wait3A_15 = tpu.memref_slice %arg6[%scan3A_9, %dma_wait3A] : memref<80x128xi32, #tpu.memory_space<vmem>> -> memref<1x128xi32, #tpu.memory_space<vmem>>
      %dma_wait3A_16 = tpu.memref_squeeze %dma_wait3A_15 : memref<1x128xi32, #tpu.memory_space<vmem>> -> memref<128xi32, #tpu.memory_space<vmem>>
      %dma_wait3A_17 = arith.constant 0 : i32
      %dma_wait3A_18 = arith.constant 0 : i32
      %dma_wait3A_19 = tpu.memref_slice %arg2[%dma_wait3A_17, %dma_wait3A_18] : memref<10240x128xf32, #tpu.memory_space<hbm>> -> memref<10240x128xf32, #tpu.memory_space<hbm>>
      tpu.wait_indirect_dma semaphore(%arg10 : memref<!tpu.dma_semaphore, #tpu.memory_space<semaphore_mem>>) src(%dma_wait3A_19 : memref<10240x128xf32, #tpu.memory_space<hbm>>) dst(%arg8 : memref<128x128xf32, #tpu.memory_space<vmem>>)
      "tpu.region"() ({
        %run_scoped3A = tpu.sem_alloc : memref<!tpu.dma_semaphore, #tpu.memory_space<semaphore_mem>>
        %dma_start3A_20 = arith.constant 0 : i32
        %dma_start3A_21 = tpu.memref_slice %arg7[%scan3A_9, %dma_start3A_20] : memref<80x128xi32, #tpu.memory_space<vmem>> -> memref<1x128xi32, #tpu.memory_space<vmem>>
        %dma_start3A_22 = tpu.memref_squeeze %dma_start3A_21 : memref<1x128xi32, #tpu.memory_space<vmem>> -> memref<128xi32, #tpu.memory_space<vmem>>
        %dma_start3A_23 = arith.constant 0 : i32
        %dma_start3A_24 = arith.constant 0 : i32
        %dma_start3A_25 = tpu.memref_slice %arg9[%dma_start3A_23, %dma_start3A_24] : memref<10240x128xf32, #tpu.memory_space<vmem_shared>> -> memref<10240x128xf32, #tpu.memory_space<vmem_shared>>
        tpu.enqueue_indirect_dma source(%arg8 : memref<128x128xf32, #tpu.memory_space<vmem>>) target(%dma_start3A_25 : memref<10240x128xf32, #tpu.memory_space<vmem_shared>>) offsets(%dma_start3A_22 : memref<128xi32, #tpu.memory_space<vmem>>) semaphore(%run_scoped3A : memref<!tpu.dma_semaphore, #tpu.memory_space<semaphore_mem>>) {add = true}
        %dma_wait3A_26 = arith.constant 0 : i32
        %dma_wait3A_27 = tpu.memref_slice %arg7[%scan3A_9, %dma_wait3A_26] : memref<80x128xi32, #tpu.memory_space<vmem>> -> memref<1x128xi32, #tpu.memory_space<vmem>>
        %dma_wait3A_28 = tpu.memref_squeeze %dma_wait3A_27 : memref<1x128xi32, #tpu.memory_space<vmem>> -> memref<128xi32, #tpu.memory_space<vmem>>
        %dma_wait3A_29 = arith.constant 0 : i32
        %dma_wait3A_30 = arith.constant 0 : i32
        %dma_wait3A_31 = tpu.memref_slice %arg9[%dma_wait3A_29, %dma_wait3A_30] : memref<10240x128xf32, #tpu.memory_space<vmem_shared>> -> memref<10240x128xf32, #tpu.memory_space<vmem_shared>>
        tpu.wait_indirect_dma semaphore(%run_scoped3A : memref<!tpu.dma_semaphore, #tpu.memory_space<semaphore_mem>>) src(%arg8 : memref<128x128xf32, #tpu.memory_space<vmem>>) dst(%dma_wait3A_31 : memref<10240x128xf32, #tpu.memory_space<vmem_shared>>)
        tpu.yield
      }) : () -> ()
    }
    %scan3A_7 = arith.constant 80 : i32
    %barrier3A_8 = arith.constant 0 : index
    tpu.barrier barrier_id(%barrier3A_8)
    "tpu.region"() ({
      %run_scoped3A = tpu.sem_alloc : memref<!tpu.dma_semaphore, #tpu.memory_space<semaphore_mem>>
      %dma_start3A = arith.constant 0 : i32
      %dma_start3A_9 = tpu.memref_slice %arg5[%arg0, %mul3A_2, %dma_start3A] : memref<2x10240x128xf32, #tpu.memory_space<hbm>> -> memref<1x640x128xf32, #tpu.memory_space<hbm>>
      %dma_start3A_10 = tpu.memref_squeeze %dma_start3A_9 : memref<1x640x128xf32, #tpu.memory_space<hbm>> -> memref<640x128xf32, #tpu.memory_space<hbm>>
      %dma_start3A_11 = arith.constant 0 : i32
      %dma_start3A_12 = tpu.memref_slice %arg9[%mul3A_2, %dma_start3A_11] : memref<10240x128xf32, #tpu.memory_space<vmem_shared>> -> memref<640x128xf32, #tpu.memory_space<vmem_shared>>
      tpu.enqueue_dma source(%dma_start3A_12 : memref<640x128xf32, #tpu.memory_space<vmem_shared>>) target(%dma_start3A_10 : memref<640x128xf32, #tpu.memory_space<hbm>>) target_semaphore(%run_scoped3A : memref<!tpu.dma_semaphore, #tpu.memory_space<semaphore_mem>>)
      %dma_wait3A = arith.constant 0 : i32
      %dma_wait3A_13 = tpu.memref_slice %arg5[%arg0, %mul3A_2, %dma_wait3A] : memref<2x10240x128xf32, #tpu.memory_space<hbm>> -> memref<1x640x128xf32, #tpu.memory_space<hbm>>
      %dma_wait3A_14 = tpu.memref_squeeze %dma_wait3A_13 : memref<1x640x128xf32, #tpu.memory_space<hbm>> -> memref<640x128xf32, #tpu.memory_space<hbm>>
      %dma_wait3A_15 = arith.constant 0 : i32
      %dma_wait3A_16 = tpu.memref_slice %arg9[%mul3A_2, %dma_wait3A_15] : memref<10240x128xf32, #tpu.memory_space<vmem_shared>> -> memref<640x128xf32, #tpu.memory_space<vmem_shared>>
      tpu.wait_dma2 semaphore(%run_scoped3A : memref<!tpu.dma_semaphore, #tpu.memory_space<semaphore_mem>>) src(%dma_wait3A_16 : memref<640x128xf32, #tpu.memory_space<vmem_shared>>) dst(%dma_wait3A_14 : memref<640x128xf32, #tpu.memory_space<hbm>>)
      tpu.yield
    }) : () -> ()
    return
  }
}

#map = affine_map<(d0, d1) -> (0, 0)>
#map1 = affine_map<(d0, d1) -> (0, 0, 0)>
module attributes {stable_mosaic.version = 14 : i64} {
  func.func @sc_agg(%arg0: i32, %arg1: i32, %arg2: memref<10240x128xf32, #tpu.memory_space<hbm>>, %arg3: memref<32x80x128xi32, #tpu.memory_space<hbm>>, %arg4: memref<32x80x128xi32, #tpu.memory_space<hbm>>, %arg5: memref<2x10240x128xf32, #tpu.memory_space<hbm>>, %arg6: memref<80x128xi32, #tpu.memory_space<vmem>>, %arg7: memref<80x128xi32, #tpu.memory_space<vmem>>, %arg8: memref<128x128xf32, #tpu.memory_space<vmem>>, %arg9: memref<10240x128xf32, #tpu.memory_space<vmem_shared>>, %arg10: memref<!tpu.dma_semaphore, #tpu.memory_space<semaphore_mem>>) attributes {dimension_semantics = [#tpu.dimension_semantics<core_parallel>, #tpu.dimension_semantics<subcore_parallel>], iteration_bounds = array<i64: 2, 16>, scalar_prefetch = 0 : i64, scratch_operands = 5 : i64, tpu.core_type = #tpu.core_type<sc_vector_subcore>, window_params = [{transform_indices = #map}, {transform_indices = #map1}, {transform_indices = #map1}, {transform_indices = #map1}]} {
    %mul3A = arith.constant 2 : i32
    %mul3A_0 = arith.muli %arg1, %mul3A : i32
    %add3A = arith.addi %mul3A_0, %arg0 : i32
    %mul3A_1 = arith.constant 640 : i32
    %mul3A_2 = arith.muli %arg1, %mul3A_1 : i32
    "tpu.region"() ({
      %run_scoped3A = tpu.sem_alloc : memref<!tpu.dma_semaphore, #tpu.memory_space<semaphore_mem>>
      %dma_start3A = arith.constant 0 : i32
      %dma_start3A_9 = tpu.memref_slice %arg9[%mul3A_2, %dma_start3A] : memref<10240x128xf32, #tpu.memory_space<vmem_shared>> -> memref<640x128xf32, #tpu.memory_space<vmem_shared>>
      %dma_start3A_10 = arith.constant 0 : i32
      %dma_start3A_11 = tpu.memref_slice %arg2[%mul3A_2, %dma_start3A_10] : memref<10240x128xf32, #tpu.memory_space<hbm>> -> memref<640x128xf32, #tpu.memory_space<hbm>>
      tpu.enqueue_dma source(%dma_start3A_11 : memref<640x128xf32, #tpu.memory_space<hbm>>) target(%dma_start3A_9 : memref<640x128xf32, #tpu.memory_space<vmem_shared>>) target_semaphore(%run_scoped3A : memref<!tpu.dma_semaphore, #tpu.memory_space<semaphore_mem>>)
      %dma_wait3A = arith.constant 0 : i32
      %dma_wait3A_12 = tpu.memref_slice %arg9[%mul3A_2, %dma_wait3A] : memref<10240x128xf32, #tpu.memory_space<vmem_shared>> -> memref<640x128xf32, #tpu.memory_space<vmem_shared>>
      %dma_wait3A_13 = arith.constant 0 : i32
      %dma_wait3A_14 = tpu.memref_slice %arg2[%mul3A_2, %dma_wait3A_13] : memref<10240x128xf32, #tpu.memory_space<hbm>> -> memref<640x128xf32, #tpu.memory_space<hbm>>
      tpu.wait_dma2 semaphore(%run_scoped3A : memref<!tpu.dma_semaphore, #tpu.memory_space<semaphore_mem>>) src(%dma_wait3A_14 : memref<640x128xf32, #tpu.memory_space<hbm>>) dst(%dma_wait3A_12 : memref<640x128xf32, #tpu.memory_space<vmem_shared>>)
      tpu.yield
    }) : () -> ()
    "tpu.region"() ({
      %run_scoped3A = tpu.sem_alloc : memref<!tpu.dma_semaphore, #tpu.memory_space<semaphore_mem>>
      %dma_start3A = arith.constant 0 : i32
      %dma_start3A_9 = arith.constant 0 : i32
      %dma_start3A_10 = tpu.memref_slice %arg3[%add3A, %dma_start3A, %dma_start3A_9] : memref<32x80x128xi32, #tpu.memory_space<hbm>> -> memref<1x80x128xi32, #tpu.memory_space<hbm>>
      %dma_start3A_11 = tpu.memref_squeeze %dma_start3A_10 : memref<1x80x128xi32, #tpu.memory_space<hbm>> -> memref<80x128xi32, #tpu.memory_space<hbm>>
      %dma_start3A_12 = arith.constant 0 : i32
      %dma_start3A_13 = arith.constant 0 : i32
      %dma_start3A_14 = tpu.memref_slice %arg3[%add3A, %dma_start3A_12, %dma_start3A_13] : memref<32x80x128xi32, #tpu.memory_space<hbm>> -> memref<1x80x128xi32, #tpu.memory_space<hbm>>
      %dma_start3A_15 = tpu.memref_squeeze %dma_start3A_14 : memref<1x80x128xi32, #tpu.memory_space<hbm>> -> memref<80x128xi32, #tpu.memory_space<hbm>>
      tpu.enqueue_dma source(%dma_start3A_15 : memref<80x128xi32, #tpu.memory_space<hbm>>) target(%arg6 : memref<80x128xi32, #tpu.memory_space<vmem>>) target_semaphore(%run_scoped3A : memref<!tpu.dma_semaphore, #tpu.memory_space<semaphore_mem>>)
      %dma_wait3A = arith.constant 0 : i32
      %dma_wait3A_16 = arith.constant 0 : i32
      %dma_wait3A_17 = tpu.memref_slice %arg3[%add3A, %dma_wait3A, %dma_wait3A_16] : memref<32x80x128xi32, #tpu.memory_space<hbm>> -> memref<1x80x128xi32, #tpu.memory_space<hbm>>
      %dma_wait3A_18 = tpu.memref_squeeze %dma_wait3A_17 : memref<1x80x128xi32, #tpu.memory_space<hbm>> -> memref<80x128xi32, #tpu.memory_space<hbm>>
      %dma_wait3A_19 = arith.constant 0 : i32
      %dma_wait3A_20 = arith.constant 0 : i32
      %dma_wait3A_21 = tpu.memref_slice %arg3[%add3A, %dma_wait3A_19, %dma_wait3A_20] : memref<32x80x128xi32, #tpu.memory_space<hbm>> -> memref<1x80x128xi32, #tpu.memory_space<hbm>>
      %dma_wait3A_22 = tpu.memref_squeeze %dma_wait3A_21 : memref<1x80x128xi32, #tpu.memory_space<hbm>> -> memref<80x128xi32, #tpu.memory_space<hbm>>
      tpu.wait_dma2 semaphore(%run_scoped3A : memref<!tpu.dma_semaphore, #tpu.memory_space<semaphore_mem>>) src(%dma_wait3A_22 : memref<80x128xi32, #tpu.memory_space<hbm>>) dst(%arg6 : memref<80x128xi32, #tpu.memory_space<vmem>>)
      tpu.yield
    }) : () -> ()
    "tpu.region"() ({
      %run_scoped3A = tpu.sem_alloc : memref<!tpu.dma_semaphore, #tpu.memory_space<semaphore_mem>>
      %dma_start3A = arith.constant 0 : i32
      %dma_start3A_9 = arith.constant 0 : i32
      %dma_start3A_10 = tpu.memref_slice %arg4[%add3A, %dma_start3A, %dma_start3A_9] : memref<32x80x128xi32, #tpu.memory_space<hbm>> -> memref<1x80x128xi32, #tpu.memory_space<hbm>>
      %dma_start3A_11 = tpu.memref_squeeze %dma_start3A_10 : memref<1x80x128xi32, #tpu.memory_space<hbm>> -> memref<80x128xi32, #tpu.memory_space<hbm>>
      %dma_start3A_12 = arith.constant 0 : i32
      %dma_start3A_13 = arith.constant 0 : i32
      %dma_start3A_14 = tpu.memref_slice %arg4[%add3A, %dma_start3A_12, %dma_start3A_13] : memref<32x80x128xi32, #tpu.memory_space<hbm>> -> memref<1x80x128xi32, #tpu.memory_space<hbm>>
      %dma_start3A_15 = tpu.memref_squeeze %dma_start3A_14 : memref<1x80x128xi32, #tpu.memory_space<hbm>> -> memref<80x128xi32, #tpu.memory_space<hbm>>
      tpu.enqueue_dma source(%dma_start3A_15 : memref<80x128xi32, #tpu.memory_space<hbm>>) target(%arg7 : memref<80x128xi32, #tpu.memory_space<vmem>>) target_semaphore(%run_scoped3A : memref<!tpu.dma_semaphore, #tpu.memory_space<semaphore_mem>>)
      %dma_wait3A = arith.constant 0 : i32
      %dma_wait3A_16 = arith.constant 0 : i32
      %dma_wait3A_17 = tpu.memref_slice %arg4[%add3A, %dma_wait3A, %dma_wait3A_16] : memref<32x80x128xi32, #tpu.memory_space<hbm>> -> memref<1x80x128xi32, #tpu.memory_space<hbm>>
      %dma_wait3A_18 = tpu.memref_squeeze %dma_wait3A_17 : memref<1x80x128xi32, #tpu.memory_space<hbm>> -> memref<80x128xi32, #tpu.memory_space<hbm>>
      %dma_wait3A_19 = arith.constant 0 : i32
      %dma_wait3A_20 = arith.constant 0 : i32
      %dma_wait3A_21 = tpu.memref_slice %arg4[%add3A, %dma_wait3A_19, %dma_wait3A_20] : memref<32x80x128xi32, #tpu.memory_space<hbm>> -> memref<1x80x128xi32, #tpu.memory_space<hbm>>
      %dma_wait3A_22 = tpu.memref_squeeze %dma_wait3A_21 : memref<1x80x128xi32, #tpu.memory_space<hbm>> -> memref<80x128xi32, #tpu.memory_space<hbm>>
      tpu.wait_dma2 semaphore(%run_scoped3A : memref<!tpu.dma_semaphore, #tpu.memory_space<semaphore_mem>>) src(%dma_wait3A_22 : memref<80x128xi32, #tpu.memory_space<hbm>>) dst(%arg7 : memref<80x128xi32, #tpu.memory_space<vmem>>)
      tpu.yield
    }) : () -> ()
    %barrier3A = arith.constant 0 : index
    tpu.barrier barrier_id(%barrier3A)
    %scan3A = arith.constant 0 : i32
    %scan3A_3 = arith.constant 0 : i32
    %scan3A_4 = arith.constant 80 : i32
    %scan3A_5 = arith.addi %scan3A_3, %scan3A_4 : i32
    %scan3A_6 = arith.constant 1 : i32
    scf.for %scan3A_9 = %scan3A_3 to %scan3A_5 step %scan3A_6  : i32 {
      %dma_start3A = arith.constant 0 : i32
      %dma_start3A_10 = tpu.memref_slice %arg6[%scan3A_9, %dma_start3A] : memref<80x128xi32, #tpu.memory_space<vmem>> -> memref<1x128xi32, #tpu.memory_space<vmem>>
      %dma_start3A_11 = tpu.memref_squeeze %dma_start3A_10 : memref<1x128xi32, #tpu.memory_space<vmem>> -> memref<128xi32, #tpu.memory_space<vmem>>
      %dma_start3A_12 = arith.constant 0 : i32
      %dma_start3A_13 = arith.constant 0 : i32
      %dma_start3A_14 = tpu.memref_slice %arg2[%dma_start3A_12, %dma_start3A_13] : memref<10240x128xf32, #tpu.memory_space<hbm>> -> memref<10240x128xf32, #tpu.memory_space<hbm>>
      tpu.enqueue_indirect_dma source(%dma_start3A_14 : memref<10240x128xf32, #tpu.memory_space<hbm>>) target(%arg8 : memref<128x128xf32, #tpu.memory_space<vmem>>) offsets(%dma_start3A_11 : memref<128xi32, #tpu.memory_space<vmem>>) semaphore(%arg10 : memref<!tpu.dma_semaphore, #tpu.memory_space<semaphore_mem>>)
      %dma_wait3A = arith.constant 0 : i32
      %dma_wait3A_15 = tpu.memref_slice %arg6[%scan3A_9, %dma_wait3A] : memref<80x128xi32, #tpu.memory_space<vmem>> -> memref<1x128xi32, #tpu.memory_space<vmem>>
      %dma_wait3A_16 = tpu.memref_squeeze %dma_wait3A_15 : memref<1x128xi32, #tpu.memory_space<vmem>> -> memref<128xi32, #tpu.memory_space<vmem>>
      %dma_wait3A_17 = arith.constant 0 : i32
      %dma_wait3A_18 = arith.constant 0 : i32
      %dma_wait3A_19 = tpu.memref_slice %arg2[%dma_wait3A_17, %dma_wait3A_18] : memref<10240x128xf32, #tpu.memory_space<hbm>> -> memref<10240x128xf32, #tpu.memory_space<hbm>>
      tpu.wait_indirect_dma semaphore(%arg10 : memref<!tpu.dma_semaphore, #tpu.memory_space<semaphore_mem>>) src(%dma_wait3A_19 : memref<10240x128xf32, #tpu.memory_space<hbm>>) dst(%arg8 : memref<128x128xf32, #tpu.memory_space<vmem>>)
      "tpu.region"() ({
        %run_scoped3A = tpu.sem_alloc : memref<!tpu.dma_semaphore, #tpu.memory_space<semaphore_mem>>
        %dma_start3A_20 = arith.constant 0 : i32
        %dma_start3A_21 = tpu.memref_slice %arg7[%scan3A_9, %dma_start3A_20] : memref<80x128xi32, #tpu.memory_space<vmem>> -> memref<1x128xi32, #tpu.memory_space<vmem>>
        %dma_start3A_22 = tpu.memref_squeeze %dma_start3A_21 : memref<1x128xi32, #tpu.memory_space<vmem>> -> memref<128xi32, #tpu.memory_space<vmem>>
        %dma_start3A_23 = arith.constant 0 : i32
        %dma_start3A_24 = arith.constant 0 : i32
        %dma_start3A_25 = tpu.memref_slice %arg9[%dma_start3A_23, %dma_start3A_24] : memref<10240x128xf32, #tpu.memory_space<vmem_shared>> -> memref<10240x128xf32, #tpu.memory_space<vmem_shared>>
        tpu.enqueue_indirect_dma source(%arg8 : memref<128x128xf32, #tpu.memory_space<vmem>>) target(%dma_start3A_25 : memref<10240x128xf32, #tpu.memory_space<vmem_shared>>) offsets(%dma_start3A_22 : memref<128xi32, #tpu.memory_space<vmem>>) semaphore(%run_scoped3A : memref<!tpu.dma_semaphore, #tpu.memory_space<semaphore_mem>>) {add = true}
        %dma_wait3A_26 = arith.constant 0 : i32
        %dma_wait3A_27 = tpu.memref_slice %arg7[%scan3A_9, %dma_wait3A_26] : memref<80x128xi32, #tpu.memory_space<vmem>> -> memref<1x128xi32, #tpu.memory_space<vmem>>
        %dma_wait3A_28 = tpu.memref_squeeze %dma_wait3A_27 : memref<1x128xi32, #tpu.memory_space<vmem>> -> memref<128xi32, #tpu.memory_space<vmem>>
        %dma_wait3A_29 = arith.constant 0 : i32
        %dma_wait3A_30 = arith.constant 0 : i32
        %dma_wait3A_31 = tpu.memref_slice %arg9[%dma_wait3A_29, %dma_wait3A_30] : memref<10240x128xf32, #tpu.memory_space<vmem_shared>> -> memref<10240x128xf32, #tpu.memory_space<vmem_shared>>
        tpu.wait_indirect_dma semaphore(%run_scoped3A : memref<!tpu.dma_semaphore, #tpu.memory_space<semaphore_mem>>) src(%arg8 : memref<128x128xf32, #tpu.memory_space<vmem>>) dst(%dma_wait3A_31 : memref<10240x128xf32, #tpu.memory_space<vmem_shared>>)
        tpu.yield
      }) : () -> ()
    }
    %scan3A_7 = arith.constant 80 : i32
    %barrier3A_8 = arith.constant 0 : index
    tpu.barrier barrier_id(%barrier3A_8)
    "tpu.region"() ({
      %run_scoped3A = tpu.sem_alloc : memref<!tpu.dma_semaphore, #tpu.memory_space<semaphore_mem>>
      %dma_start3A = arith.constant 0 : i32
      %dma_start3A_9 = tpu.memref_slice %arg5[%arg0, %mul3A_2, %dma_start3A] : memref<2x10240x128xf32, #tpu.memory_space<hbm>> -> memref<1x640x128xf32, #tpu.memory_space<hbm>>
      %dma_start3A_10 = tpu.memref_squeeze %dma_start3A_9 : memref<1x640x128xf32, #tpu.memory_space<hbm>> -> memref<640x128xf32, #tpu.memory_space<hbm>>
      %dma_start3A_11 = arith.constant 0 : i32
      %dma_start3A_12 = tpu.memref_slice %arg9[%mul3A_2, %dma_start3A_11] : memref<10240x128xf32, #tpu.memory_space<vmem_shared>> -> memref<640x128xf32, #tpu.memory_space<vmem_shared>>
      tpu.enqueue_dma source(%dma_start3A_12 : memref<640x128xf32, #tpu.memory_space<vmem_shared>>) target(%dma_start3A_10 : memref<640x128xf32, #tpu.memory_space<hbm>>) target_semaphore(%run_scoped3A : memref<!tpu.dma_semaphore, #tpu.memory_space<semaphore_mem>>)
      %dma_wait3A = arith.constant 0 : i32
      %dma_wait3A_13 = tpu.memref_slice %arg5[%arg0, %mul3A_2, %dma_wait3A] : memref<2x10240x128xf32, #tpu.memory_space<hbm>> -> memref<1x640x128xf32, #tpu.memory_space<hbm>>
      %dma_wait3A_14 = tpu.memref_squeeze %dma_wait3A_13 : memref<1x640x128xf32, #tpu.memory_space<hbm>> -> memref<640x128xf32, #tpu.memory_space<hbm>>
      %dma_wait3A_15 = arith.constant 0 : i32
      %dma_wait3A_16 = tpu.memref_slice %arg9[%mul3A_2, %dma_wait3A_15] : memref<10240x128xf32, #tpu.memory_space<vmem_shared>> -> memref<640x128xf32, #tpu.memory_space<vmem_shared>>
      tpu.wait_dma2 semaphore(%run_scoped3A : memref<!tpu.dma_semaphore, #tpu.memory_space<semaphore_mem>>) src(%dma_wait3A_16 : memref<640x128xf32, #tpu.memory_space<vmem_shared>>) dst(%dma_wait3A_14 : memref<640x128xf32, #tpu.memory_space<hbm>>)
      tpu.yield
    }) : () -> ()
    return
  }
}

module attributes {stable_mosaic.version = 14 : i64} {
  func.func @_mlp_kernel(%arg0: i32, %arg1: memref<1024x128xf32, #tpu.memory_space<vmem>>, %arg2: memref<2x1024x128xf32, #tpu.memory_space<vmem>>, %arg3: memref<128x128xf32, #tpu.memory_space<vmem>>, %arg4: memref<1x128xf32, #tpu.memory_space<vmem>>, %arg5: memref<1x128xf32, #tpu.memory_space<vmem>>, %arg6: memref<1x128xf32, #tpu.memory_space<vmem>>, %arg7: memref<1x128xf32, #tpu.memory_space<vmem>>, %arg8: memref<1x128xf32, #tpu.memory_space<vmem>>, %arg9: memref<128x128xf32, #tpu.memory_space<vmem>>, %arg10: memref<1x128xf32, #tpu.memory_space<vmem>>, %arg11: memref<1x128xf32, #tpu.memory_space<vmem>>, %arg12: memref<1x128xf32, #tpu.memory_space<vmem>>, %arg13: memref<1x128xf32, #tpu.memory_space<vmem>>, %arg14: memref<1x128xf32, #tpu.memory_space<vmem>>, %arg15: memref<1024x128xf32, #tpu.memory_space<vmem>>) attributes {dimension_semantics = [#tpu.dimension_semantics<arbitrary>], iteration_bounds = array<i64: 10>, scalar_prefetch = 0 : i64, scratch_operands = 0 : i64, tpu.core_type = #tpu.core_type<tc>, window_params = [{transform_indices = @transform_0, window_bounds = array<i64: 1024, 128>}, {transform_indices = @transform_1, window_bounds = array<i64: 2, 1024, 128>}, {pipeline_mode = #tpu.pipeline_mode<synchronous>, transform_indices = @transform_2, window_bounds = array<i64: 128, 128>}, {pipeline_mode = #tpu.pipeline_mode<synchronous>, transform_indices = @transform_3, window_bounds = array<i64: 1, 128>}, {pipeline_mode = #tpu.pipeline_mode<synchronous>, transform_indices = @transform_4, window_bounds = array<i64: 1, 128>}, {pipeline_mode = #tpu.pipeline_mode<synchronous>, transform_indices = @transform_5, window_bounds = array<i64: 1, 128>}, {pipeline_mode = #tpu.pipeline_mode<synchronous>, transform_indices = @transform_6, window_bounds = array<i64: 1, 128>}, {pipeline_mode = #tpu.pipeline_mode<synchronous>, transform_indices = @transform_7, window_bounds = array<i64: 1, 128>}, {pipeline_mode = #tpu.pipeline_mode<synchronous>, transform_indices = @transform_8, window_bounds = array<i64: 128, 128>}, {pipeline_mode = #tpu.pipeline_mode<synchronous>, transform_indices = @transform_9, window_bounds = array<i64: 1, 128>}, {pipeline_mode = #tpu.pipeline_mode<synchronous>, transform_indices = @transform_10, window_bounds = array<i64: 1, 128>}, {pipeline_mode = #tpu.pipeline_mode<synchronous>, transform_indices = @transform_11, window_bounds = array<i64: 1, 128>}, {pipeline_mode = #tpu.pipeline_mode<synchronous>, transform_indices = @transform_12, window_bounds = array<i64: 1, 128>}, {pipeline_mode = #tpu.pipeline_mode<synchronous>, transform_indices = @transform_13, window_bounds = array<i64: 1, 128>}, {transform_indices = @transform_14, window_bounds = array<i64: 1024, 128>}]} {
    %get3A = arith.constant 0 : index
    %get3A_0 = arith.constant 0 : index
    %get3A_1 = arith.constant 0 : index
    %get3A_2 = vector.load %arg2[%get3A, %get3A_0, %get3A_1] : memref<2x1024x128xf32, #tpu.memory_space<vmem>>, vector<1x1024x128xf32>
    %get3A_3 = vector.shape_cast %get3A_2 : vector<1x1024x128xf32> to vector<1024x128xf32>
    %get3A_4 = arith.constant 1 : index
    %get3A_5 = arith.constant 0 : index
    %get3A_6 = arith.constant 0 : index
    %get3A_7 = vector.load %arg2[%get3A_4, %get3A_5, %get3A_6] : memref<2x1024x128xf32, #tpu.memory_space<vmem>>, vector<1x1024x128xf32>
    %get3A_8 = vector.shape_cast %get3A_7 : vector<1x1024x128xf32> to vector<1024x128xf32>
    %add3A = arith.addf %get3A_3, %get3A_8 : vector<1024x128xf32>
    %get3A_9 = arith.constant 0 : index
    %get3A_10 = arith.constant 0 : index
    %get3A_11 = vector.load %arg1[%get3A_9, %get3A_10] : memref<1024x128xf32, #tpu.memory_space<vmem>>, vector<1024x128xf32>
    %sub3A = arith.subf %add3A, %get3A_11 : vector<1024x128xf32>
    %get3A_12 = arith.constant 0 : index
    %get3A_13 = arith.constant 0 : index
    %get3A_14 = vector.load %arg3[%get3A_12, %get3A_13] : memref<128x128xf32, #tpu.memory_space<vmem>>, vector<128x128xf32>
    %dot_general3A = arith.constant dense<0.000000e+00> : vector<1024x128xf32>
    %dot_general3A_15 = tpu.matmul %sub3A, %get3A_14, %dot_general3A {dimension_numbers = #tpu.dot_dimension_numbers<[1], [0], [0], [1], [0, 0, 1, 1], [], []>, transpose_lhs_hint = false} : vector<1024x128xf32>, vector<128x128xf32>, vector<1024x128xf32> -> vector<1024x128xf32>
    %get3A_16 = arith.constant 0 : index
    %get3A_17 = arith.constant 0 : index
    %get3A_18 = vector.load %arg4[%get3A_16, %get3A_17] : memref<1x128xf32, #tpu.memory_space<vmem>>, vector<1x128xf32>
    %add3A_19 = vector.broadcast %get3A_18 : vector<1x128xf32> to vector<1024x128xf32>
    %add3A_20 = arith.addf %dot_general3A_15, %add3A_19 : vector<1024x128xf32>
    %get3A_21 = arith.constant 0 : index
    %get3A_22 = arith.constant 0 : index
    %get3A_23 = vector.load %arg5[%get3A_21, %get3A_22] : memref<1x128xf32, #tpu.memory_space<vmem>>, vector<1x128xf32>
    %get3A_24 = arith.constant 0 : index
    %get3A_25 = arith.constant 0 : index
    %get3A_26 = vector.load %arg8[%get3A_24, %get3A_25] : memref<1x128xf32, #tpu.memory_space<vmem>>, vector<1x128xf32>
    %add3A_27 = arith.constant 9.99999974E-6 : f32
    %add3A_28 = vector.broadcast %add3A_27 : f32 to vector<1x128xf32>
    %add3A_29 = arith.addf %get3A_26, %add3A_28 : vector<1x128xf32>
    %rsqrt3A = math.rsqrt %add3A_29 : vector<1x128xf32>
    %mul3A = arith.mulf %get3A_23, %rsqrt3A : vector<1x128xf32>
    %get3A_30 = arith.constant 0 : index
    %get3A_31 = arith.constant 0 : index
    %get3A_32 = vector.load %arg7[%get3A_30, %get3A_31] : memref<1x128xf32, #tpu.memory_space<vmem>>, vector<1x128xf32>
    %sub3A_33 = vector.broadcast %get3A_32 : vector<1x128xf32> to vector<1024x128xf32>
    %sub3A_34 = arith.subf %add3A_20, %sub3A_33 : vector<1024x128xf32>
    %mul3A_35 = vector.broadcast %mul3A : vector<1x128xf32> to vector<1024x128xf32>
    %mul3A_36 = arith.mulf %sub3A_34, %mul3A_35 : vector<1024x128xf32>
    %get3A_37 = arith.constant 0 : index
    %get3A_38 = arith.constant 0 : index
    %get3A_39 = vector.load %arg6[%get3A_37, %get3A_38] : memref<1x128xf32, #tpu.memory_space<vmem>>, vector<1x128xf32>
    %add3A_40 = vector.broadcast %get3A_39 : vector<1x128xf32> to vector<1024x128xf32>
    %add3A_41 = arith.addf %mul3A_36, %add3A_40 : vector<1024x128xf32>
    %max3A = arith.constant 0.000000e+00 : f32
    %max3A_42 = vector.broadcast %max3A : f32 to vector<1024x128xf32>
    %max3A_43 = arith.maximumf %add3A_41, %max3A_42 : vector<1024x128xf32>
    %get3A_44 = arith.constant 0 : index
    %get3A_45 = arith.constant 0 : index
    %get3A_46 = vector.load %arg9[%get3A_44, %get3A_45] : memref<128x128xf32, #tpu.memory_space<vmem>>, vector<128x128xf32>
    %dot_general3A_47 = arith.constant dense<0.000000e+00> : vector<1024x128xf32>
    %dot_general3A_48 = tpu.matmul %max3A_43, %get3A_46, %dot_general3A_47 {dimension_numbers = #tpu.dot_dimension_numbers<[1], [0], [0], [1], [0, 0, 1, 1], [], []>, transpose_lhs_hint = false} : vector<1024x128xf32>, vector<128x128xf32>, vector<1024x128xf32> -> vector<1024x128xf32>
    %get3A_49 = arith.constant 0 : index
    %get3A_50 = arith.constant 0 : index
    %get3A_51 = vector.load %arg10[%get3A_49, %get3A_50] : memref<1x128xf32, #tpu.memory_space<vmem>>, vector<1x128xf32>
    %add3A_52 = vector.broadcast %get3A_51 : vector<1x128xf32> to vector<1024x128xf32>
    %add3A_53 = arith.addf %dot_general3A_48, %add3A_52 : vector<1024x128xf32>
    %get3A_54 = arith.constant 0 : index
    %get3A_55 = arith.constant 0 : index
    %get3A_56 = vector.load %arg11[%get3A_54, %get3A_55] : memref<1x128xf32, #tpu.memory_space<vmem>>, vector<1x128xf32>
    %get3A_57 = arith.constant 0 : index
    %get3A_58 = arith.constant 0 : index
    %get3A_59 = vector.load %arg14[%get3A_57, %get3A_58] : memref<1x128xf32, #tpu.memory_space<vmem>>, vector<1x128xf32>
    %add3A_60 = arith.constant 9.99999974E-6 : f32
    %add3A_61 = vector.broadcast %add3A_60 : f32 to vector<1x128xf32>
    %add3A_62 = arith.addf %get3A_59, %add3A_61 : vector<1x128xf32>
    %rsqrt3A_63 = math.rsqrt %add3A_62 : vector<1x128xf32>
    %mul3A_64 = arith.mulf %get3A_56, %rsqrt3A_63 : vector<1x128xf32>
    %get3A_65 = arith.constant 0 : index
    %get3A_66 = arith.constant 0 : index
    %get3A_67 = vector.load %arg13[%get3A_65, %get3A_66] : memref<1x128xf32, #tpu.memory_space<vmem>>, vector<1x128xf32>
    %sub3A_68 = vector.broadcast %get3A_67 : vector<1x128xf32> to vector<1024x128xf32>
    %sub3A_69 = arith.subf %add3A_53, %sub3A_68 : vector<1024x128xf32>
    %mul3A_70 = vector.broadcast %mul3A_64 : vector<1x128xf32> to vector<1024x128xf32>
    %mul3A_71 = arith.mulf %sub3A_69, %mul3A_70 : vector<1024x128xf32>
    %get3A_72 = arith.constant 0 : index
    %get3A_73 = arith.constant 0 : index
    %get3A_74 = vector.load %arg12[%get3A_72, %get3A_73] : memref<1x128xf32, #tpu.memory_space<vmem>>, vector<1x128xf32>
    %add3A_75 = vector.broadcast %get3A_74 : vector<1x128xf32> to vector<1024x128xf32>
    %add3A_76 = arith.addf %mul3A_71, %add3A_75 : vector<1024x128xf32>
    %max3A_77 = arith.constant 0.000000e+00 : f32
    %max3A_78 = vector.broadcast %max3A_77 : f32 to vector<1024x128xf32>
    %max3A_79 = arith.maximumf %add3A_76, %max3A_78 : vector<1024x128xf32>
    %swap3A = arith.constant 0 : index
    %swap3A_80 = arith.constant 0 : index
    %swap3A_81 = vector.load %arg15[%swap3A, %swap3A_80] : memref<1024x128xf32, #tpu.memory_space<vmem>>, vector<1024x128xf32>
    tpu.vector_store %arg15[%swap3A, %swap3A_80], %max3A_79 {strides = array<i32>} : memref<1024x128xf32, #tpu.memory_space<vmem>>, vector<1024x128xf32>,
    return
  }
  func.func @transform_0(%arg0: i32) -> (i32, i32) {
    %c0_i32 = arith.constant 0 : i32
    %c0_i32_0 = arith.constant 0 : i32
    return %arg0, %c0_i32 : i32, i32
  }
  func.func @transform_1(%arg0: i32) -> (i32, i32, i32) {
    %c0_i32 = arith.constant 0 : i32
    %c0_i32_0 = arith.constant 0 : i32
    %c0_i32_1 = arith.constant 0 : i32
    return %c0_i32, %arg0, %c0_i32_0 : i32, i32, i32
  }
  func.func @transform_2(%arg0: i32) -> (i32, i32) {
    %c0_i32 = arith.constant 0 : i32
    %c0_i32_0 = arith.constant 0 : i32
    %c0_i32_1 = arith.constant 0 : i32
    return %c0_i32, %c0_i32_0 : i32, i32
  }
  func.func @transform_3(%arg0: i32) -> (i32, i32) {
    %c0_i32 = arith.constant 0 : i32
    %c0_i32_0 = arith.constant 0 : i32
    %c0_i32_1 = arith.constant 0 : i32
    return %c0_i32, %c0_i32_0 : i32, i32
  }
  func.func @transform_4(%arg0: i32) -> (i32, i32) {
    %c0_i32 = arith.constant 0 : i32
    %c0_i32_0 = arith.constant 0 : i32
    %c0_i32_1 = arith.constant 0 : i32
    return %c0_i32, %c0_i32_0 : i32, i32
  }
  func.func @transform_5(%arg0: i32) -> (i32, i32) {
    %c0_i32 = arith.constant 0 : i32
    %c0_i32_0 = arith.constant 0 : i32
    %c0_i32_1 = arith.constant 0 : i32
    return %c0_i32, %c0_i32_0 : i32, i32
  }
  func.func @transform_6(%arg0: i32) -> (i32, i32) {
    %c0_i32 = arith.constant 0 : i32
    %c0_i32_0 = arith.constant 0 : i32
    %c0_i32_1 = arith.constant 0 : i32
    return %c0_i32, %c0_i32_0 : i32, i32
  }
  func.func @transform_7(%arg0: i32) -> (i32, i32) {
    %c0_i32 = arith.constant 0 : i32
    %c0_i32_0 = arith.constant 0 : i32
    %c0_i32_1 = arith.constant 0 : i32
    return %c0_i32, %c0_i32_0 : i32, i32
  }
  func.func @transform_8(%arg0: i32) -> (i32, i32) {
    %c0_i32 = arith.constant 0 : i32
    %c0_i32_0 = arith.constant 0 : i32
    %c0_i32_1 = arith.constant 0 : i32
    return %c0_i32, %c0_i32_0 : i32, i32
  }
  func.func @transform_9(%arg0: i32) -> (i32, i32) {
    %c0_i32 = arith.constant 0 : i32
    %c0_i32_0 = arith.constant 0 : i32
    %c0_i32_1 = arith.constant 0 : i32
    return %c0_i32, %c0_i32_0 : i32, i32
  }
  func.func @transform_10(%arg0: i32) -> (i32, i32) {
    %c0_i32 = arith.constant 0 : i32
    %c0_i32_0 = arith.constant 0 : i32
    %c0_i32_1 = arith.constant 0 : i32
    return %c0_i32, %c0_i32_0 : i32, i32
  }
  func.func @transform_11(%arg0: i32) -> (i32, i32) {
    %c0_i32 = arith.constant 0 : i32
    %c0_i32_0 = arith.constant 0 : i32
    %c0_i32_1 = arith.constant 0 : i32
    return %c0_i32, %c0_i32_0 : i32, i32
  }
  func.func @transform_12(%arg0: i32) -> (i32, i32) {
    %c0_i32 = arith.constant 0 : i32
    %c0_i32_0 = arith.constant 0 : i32
    %c0_i32_1 = arith.constant 0 : i32
    return %c0_i32, %c0_i32_0 : i32, i32
  }
  func.func @transform_13(%arg0: i32) -> (i32, i32) {
    %c0_i32 = arith.constant 0 : i32
    %c0_i32_0 = arith.constant 0 : i32
    %c0_i32_1 = arith.constant 0 : i32
    return %c0_i32, %c0_i32_0 : i32, i32
  }
  func.func @transform_14(%arg0: i32) -> (i32, i32) {
    %c0_i32 = arith.constant 0 : i32
    %c0_i32_0 = arith.constant 0 : i32
    return %arg0, %c0_i32 : i32, i32
  }
}

module attributes {stable_mosaic.version = 14 : i64} {
  func.func @_final_kernel(%arg0: i32, %arg1: memref<1024x128xf32, #tpu.memory_space<vmem>>, %arg2: memref<2x1024x128xf32, #tpu.memory_space<vmem>>, %arg3: memref<1x1x1024xi32, #tpu.memory_space<vmem>>, %arg4: memref<128x128xf32, #tpu.memory_space<vmem>>, %arg5: memref<1x128xf32, #tpu.memory_space<vmem>>, %arg6: memref<1x128xf32, #tpu.memory_space<vmem>>, %arg7: memref<1x128xf32, #tpu.memory_space<vmem>>, %arg8: memref<1x128xf32, #tpu.memory_space<vmem>>, %arg9: memref<1x128xf32, #tpu.memory_space<vmem>>, %arg10: memref<128x128xf32, #tpu.memory_space<vmem>>, %arg11: memref<1x128xf32, #tpu.memory_space<vmem>>, %arg12: memref<1x128xf32, #tpu.memory_space<vmem>>, %arg13: memref<1x128xf32, #tpu.memory_space<vmem>>, %arg14: memref<1x128xf32, #tpu.memory_space<vmem>>, %arg15: memref<1x128xf32, #tpu.memory_space<vmem>>, %arg16: memref<128x128xf32, #tpu.memory_space<vmem>>, %arg17: memref<1x128xf32, #tpu.memory_space<vmem>>, %arg18: memref<256x128xf32, #tpu.memory_space<vmem>>, %arg19: memref<256x128xf32, #tpu.memory_space<vmem>>, %arg20: memref<256x1xf32, #tpu.memory_space<vmem>>) attributes {dimension_semantics = [#tpu.dimension_semantics<arbitrary>], iteration_bounds = array<i64: 10>, scalar_prefetch = 0 : i64, scratch_operands = 2 : i64, tpu.core_type = #tpu.core_type<tc>, window_params = [{transform_indices = @transform_0, window_bounds = array<i64: 1024, 128>}, {transform_indices = @transform_1, window_bounds = array<i64: 2, 1024, 128>}, {transform_indices = @transform_2, window_bounds = array<i64: 1, 1, 1024>}, {pipeline_mode = #tpu.pipeline_mode<synchronous>, transform_indices = @transform_3, window_bounds = array<i64: 128, 128>}, {pipeline_mode = #tpu.pipeline_mode<synchronous>, transform_indices = @transform_4, window_bounds = array<i64: 1, 128>}, {pipeline_mode = #tpu.pipeline_mode<synchronous>, transform_indices = @transform_5, window_bounds = array<i64: 1, 128>}, {pipeline_mode = #tpu.pipeline_mode<synchronous>, transform_indices = @transform_6, window_bounds = array<i64: 1, 128>}, {pipeline_mode = #tpu.pipeline_mode<synchronous>, transform_indices = @transform_7, window_bounds = array<i64: 1, 128>}, {pipeline_mode = #tpu.pipeline_mode<synchronous>, transform_indices = @transform_8, window_bounds = array<i64: 1, 128>}, {pipeline_mode = #tpu.pipeline_mode<synchronous>, transform_indices = @transform_9, window_bounds = array<i64: 128, 128>}, {pipeline_mode = #tpu.pipeline_mode<synchronous>, transform_indices = @transform_10, window_bounds = array<i64: 1, 128>}, {pipeline_mode = #tpu.pipeline_mode<synchronous>, transform_indices = @transform_11, window_bounds = array<i64: 1, 128>}, {pipeline_mode = #tpu.pipeline_mode<synchronous>, transform_indices = @transform_12, window_bounds = array<i64: 1, 128>}, {pipeline_mode = #tpu.pipeline_mode<synchronous>, transform_indices = @transform_13, window_bounds = array<i64: 1, 128>}, {pipeline_mode = #tpu.pipeline_mode<synchronous>, transform_indices = @transform_14, window_bounds = array<i64: 1, 128>}, {pipeline_mode = #tpu.pipeline_mode<synchronous>, transform_indices = @transform_15, window_bounds = array<i64: 128, 128>}, {pipeline_mode = #tpu.pipeline_mode<synchronous>, transform_indices = @transform_16, window_bounds = array<i64: 1, 128>}, {pipeline_mode = #tpu.pipeline_mode<synchronous>, transform_indices = @transform_17, window_bounds = array<i64: 256, 128>}]} {
    %get3A = arith.constant 0 : index
    %get3A_0 = arith.constant 0 : index
    %get3A_1 = arith.constant 0 : index
    %get3A_2 = vector.load %arg2[%get3A, %get3A_0, %get3A_1] : memref<2x1024x128xf32, #tpu.memory_space<vmem>>, vector<1x1024x128xf32>
    %get3A_3 = vector.shape_cast %get3A_2 : vector<1x1024x128xf32> to vector<1024x128xf32>
    %get3A_4 = arith.constant 1 : index
    %get3A_5 = arith.constant 0 : index
    %get3A_6 = arith.constant 0 : index
    %get3A_7 = vector.load %arg2[%get3A_4, %get3A_5, %get3A_6] : memref<2x1024x128xf32, #tpu.memory_space<vmem>>, vector<1x1024x128xf32>
    %get3A_8 = vector.shape_cast %get3A_7 : vector<1x1024x128xf32> to vector<1024x128xf32>
    %add3A = arith.addf %get3A_3, %get3A_8 : vector<1024x128xf32>
    %get3A_9 = arith.constant 0 : index
    %get3A_10 = arith.constant 0 : index
    %get3A_11 = vector.load %arg1[%get3A_9, %get3A_10] : memref<1024x128xf32, #tpu.memory_space<vmem>>, vector<1024x128xf32>
    %sub3A = arith.subf %add3A, %get3A_11 : vector<1024x128xf32>
    %get3A_12 = arith.constant 0 : index
    %get3A_13 = arith.constant 0 : index
    %get3A_14 = vector.load %arg4[%get3A_12, %get3A_13] : memref<128x128xf32, #tpu.memory_space<vmem>>, vector<128x128xf32>
    %dot_general3A = arith.constant dense<0.000000e+00> : vector<1024x128xf32>
    %dot_general3A_15 = tpu.matmul %sub3A, %get3A_14, %dot_general3A {dimension_numbers = #tpu.dot_dimension_numbers<[1], [0], [0], [1], [0, 0, 1, 1], [], []>, transpose_lhs_hint = false} : vector<1024x128xf32>, vector<128x128xf32>, vector<1024x128xf32> -> vector<1024x128xf32>
    %get3A_16 = arith.constant 0 : index
    %get3A_17 = arith.constant 0 : index
    %get3A_18 = vector.load %arg5[%get3A_16, %get3A_17] : memref<1x128xf32, #tpu.memory_space<vmem>>, vector<1x128xf32>
    %add3A_19 = vector.broadcast %get3A_18 : vector<1x128xf32> to vector<1024x128xf32>
    %add3A_20 = arith.addf %dot_general3A_15, %add3A_19 : vector<1024x128xf32>
    %get3A_21 = arith.constant 0 : index
    %get3A_22 = arith.constant 0 : index
    %get3A_23 = vector.load %arg6[%get3A_21, %get3A_22] : memref<1x128xf32, #tpu.memory_space<vmem>>, vector<1x128xf32>
    %get3A_24 = arith.constant 0 : index
    %get3A_25 = arith.constant 0 : index
    %get3A_26 = vector.load %arg9[%get3A_24, %get3A_25] : memref<1x128xf32, #tpu.memory_space<vmem>>, vector<1x128xf32>
    %add3A_27 = arith.constant 9.99999974E-6 : f32
    %add3A_28 = vector.broadcast %add3A_27 : f32 to vector<1x128xf32>
    %add3A_29 = arith.addf %get3A_26, %add3A_28 : vector<1x128xf32>
    %rsqrt3A = math.rsqrt %add3A_29 : vector<1x128xf32>
    %mul3A = arith.mulf %get3A_23, %rsqrt3A : vector<1x128xf32>
    %get3A_30 = arith.constant 0 : index
    %get3A_31 = arith.constant 0 : index
    %get3A_32 = vector.load %arg8[%get3A_30, %get3A_31] : memref<1x128xf32, #tpu.memory_space<vmem>>, vector<1x128xf32>
    %sub3A_33 = vector.broadcast %get3A_32 : vector<1x128xf32> to vector<1024x128xf32>
    %sub3A_34 = arith.subf %add3A_20, %sub3A_33 : vector<1024x128xf32>
    %mul3A_35 = vector.broadcast %mul3A : vector<1x128xf32> to vector<1024x128xf32>
    %mul3A_36 = arith.mulf %sub3A_34, %mul3A_35 : vector<1024x128xf32>
    %get3A_37 = arith.constant 0 : index
    %get3A_38 = arith.constant 0 : index
    %get3A_39 = vector.load %arg7[%get3A_37, %get3A_38] : memref<1x128xf32, #tpu.memory_space<vmem>>, vector<1x128xf32>
    %add3A_40 = vector.broadcast %get3A_39 : vector<1x128xf32> to vector<1024x128xf32>
    %add3A_41 = arith.addf %mul3A_36, %add3A_40 : vector<1024x128xf32>
    %max3A = arith.constant 0.000000e+00 : f32
    %max3A_42 = vector.broadcast %max3A : f32 to vector<1024x128xf32>
    %max3A_43 = arith.maximumf %add3A_41, %max3A_42 : vector<1024x128xf32>
    %get3A_44 = arith.constant 0 : index
    %get3A_45 = arith.constant 0 : index
    %get3A_46 = vector.load %arg10[%get3A_44, %get3A_45] : memref<128x128xf32, #tpu.memory_space<vmem>>, vector<128x128xf32>
    %dot_general3A_47 = arith.constant dense<0.000000e+00> : vector<1024x128xf32>
    %dot_general3A_48 = tpu.matmul %max3A_43, %get3A_46, %dot_general3A_47 {dimension_numbers = #tpu.dot_dimension_numbers<[1], [0], [0], [1], [0, 0, 1, 1], [], []>, transpose_lhs_hint = false} : vector<1024x128xf32>, vector<128x128xf32>, vector<1024x128xf32> -> vector<1024x128xf32>
    %get3A_49 = arith.constant 0 : index
    %get3A_50 = arith.constant 0 : index
    %get3A_51 = vector.load %arg11[%get3A_49, %get3A_50] : memref<1x128xf32, #tpu.memory_space<vmem>>, vector<1x128xf32>
    %add3A_52 = vector.broadcast %get3A_51 : vector<1x128xf32> to vector<1024x128xf32>
    %add3A_53 = arith.addf %dot_general3A_48, %add3A_52 : vector<1024x128xf32>
    %get3A_54 = arith.constant 0 : index
    %get3A_55 = arith.constant 0 : index
    %get3A_56 = vector.load %arg12[%get3A_54, %get3A_55] : memref<1x128xf32, #tpu.memory_space<vmem>>, vector<1x128xf32>
    %get3A_57 = arith.constant 0 : index
    %get3A_58 = arith.constant 0 : index
    %get3A_59 = vector.load %arg15[%get3A_57, %get3A_58] : memref<1x128xf32, #tpu.memory_space<vmem>>, vector<1x128xf32>
    %add3A_60 = arith.constant 9.99999974E-6 : f32
    %add3A_61 = vector.broadcast %add3A_60 : f32 to vector<1x128xf32>
    %add3A_62 = arith.addf %get3A_59, %add3A_61 : vector<1x128xf32>
    %rsqrt3A_63 = math.rsqrt %add3A_62 : vector<1x128xf32>
    %mul3A_64 = arith.mulf %get3A_56, %rsqrt3A_63 : vector<1x128xf32>
    %get3A_65 = arith.constant 0 : index
    %get3A_66 = arith.constant 0 : index
    %get3A_67 = vector.load %arg14[%get3A_65, %get3A_66] : memref<1x128xf32, #tpu.memory_space<vmem>>, vector<1x128xf32>
    %sub3A_68 = vector.broadcast %get3A_67 : vector<1x128xf32> to vector<1024x128xf32>
    %sub3A_69 = arith.subf %add3A_53, %sub3A_68 : vector<1024x128xf32>
    %mul3A_70 = vector.broadcast %mul3A_64 : vector<1x128xf32> to vector<1024x128xf32>
    %mul3A_71 = arith.mulf %sub3A_69, %mul3A_70 : vector<1024x128xf32>
    %get3A_72 = arith.constant 0 : index
    %get3A_73 = arith.constant 0 : index
    %get3A_74 = vector.load %arg13[%get3A_72, %get3A_73] : memref<1x128xf32, #tpu.memory_space<vmem>>, vector<1x128xf32>
    %add3A_75 = vector.broadcast %get3A_74 : vector<1x128xf32> to vector<1024x128xf32>
    %add3A_76 = arith.addf %mul3A_71, %add3A_75 : vector<1024x128xf32>
    %max3A_77 = arith.constant 0.000000e+00 : f32
    %max3A_78 = vector.broadcast %max3A_77 : f32 to vector<1024x128xf32>
    %max3A_79 = arith.maximumf %add3A_76, %max3A_78 : vector<1024x128xf32>
    %get3A_80 = arith.constant 0 : index
    %get3A_81 = arith.constant 0 : index
    %get3A_82 = arith.constant 0 : index
    %get3A_83 = vector.load %arg3[%get3A_80, %get3A_81, %get3A_82] : memref<1x1x1024xi32, #tpu.memory_space<vmem>>, vector<1x1x1024xi32>
    %get3A_84 = vector.shape_cast %get3A_83 : vector<1x1x1024xi32> to vector<1024xi32>
    %iota3A = tpu.iota {dimensions = array<i32: 0>} : vector<256x1024xi32>
    %broadcast_in_dim3A = vector.shape_cast %get3A_84 : vector<1024xi32> to vector<1x1024xi32>
    %eq3A = vector.broadcast %broadcast_in_dim3A : vector<1x1024xi32> to vector<256x1024xi32>
    %eq3A_85 = arith.cmpi eq, %iota3A, %eq3A : vector<256x1024xi32>
    %convert_element_type3A = arith.extui %eq3A_85 : vector<256x1024xi1> to vector<256x1024xi32>
    %convert_element_type3A_86 = arith.sitofp %convert_element_type3A : vector<256x1024xi32> to vector<256x1024xf32>
    %eq3A_87 = arith.constant 0 : i32
    %eq3A_88 = arith.cmpi eq, %arg0, %eq3A_87 : i32
    %convert_element_type3A_89 = arith.extui %eq3A_88 : i1 to i32
    %cond3A = arith.constant 0 : i32
    %cond3A_90 = arith.cmpi ne, %convert_element_type3A_89, %cond3A : i32
    scf.if %cond3A_90 {
      %broadcast_in_dim3A_113 = arith.constant 0.000000e+00 : f32
      %broadcast_in_dim3A_114 = vector.broadcast %broadcast_in_dim3A_113 : f32 to vector<256x128xf32>
      %swap3A_115 = arith.constant 0 : index
      %swap3A_116 = arith.constant 0 : index
      %swap3A_117 = vector.load %arg19[%swap3A_115, %swap3A_116] : memref<256x128xf32, #tpu.memory_space<vmem>>, vector<256x128xf32>
      tpu.vector_store %arg19[%swap3A_115, %swap3A_116], %broadcast_in_dim3A_114 {strides = array<i32>} : memref<256x128xf32, #tpu.memory_space<vmem>>, vector<256x128xf32>,
      %broadcast_in_dim3A_118 = arith.constant 0.000000e+00 : f32
      %broadcast_in_dim3A_119 = vector.broadcast %broadcast_in_dim3A_118 : f32 to vector<256x1xf32>
      %swap3A_120 = arith.constant 0 : index
      %swap3A_121 = arith.constant 0 : index
      %swap3A_122 = vector.load %arg20[%swap3A_120, %swap3A_121] : memref<256x1xf32, #tpu.memory_space<vmem>>, vector<256x1xf32>
      tpu.vector_store %arg20[%swap3A_120, %swap3A_121], %broadcast_in_dim3A_119 {strides = array<i32>} : memref<256x1xf32, #tpu.memory_space<vmem>>, vector<256x1xf32>,
    } else {
    }
    %get3A_91 = arith.constant 0 : index
    %get3A_92 = arith.constant 0 : index
    %get3A_93 = vector.load %arg19[%get3A_91, %get3A_92] : memref<256x128xf32, #tpu.memory_space<vmem>>, vector<256x128xf32>
    %dot_general3A_94 = arith.constant dense<0.000000e+00> : vector<256x128xf32>
    %dot_general3A_95 = tpu.matmul %convert_element_type3A_86, %max3A_79, %dot_general3A_94 {dimension_numbers = #tpu.dot_dimension_numbers<[1], [0], [0], [1], [0, 0, 1, 1], [], []>, transpose_lhs_hint = false} : vector<256x1024xf32>, vector<1024x128xf32>, vector<256x128xf32> -> vector<256x128xf32>
    %add3A_96 = arith.addf %get3A_93, %dot_general3A_95 : vector<256x128xf32>
    %swap3A = arith.constant 0 : index
    %swap3A_97 = arith.constant 0 : index
    %swap3A_98 = vector.load %arg19[%swap3A, %swap3A_97] : memref<256x128xf32, #tpu.memory_space<vmem>>, vector<256x128xf32>
    tpu.vector_store %arg19[%swap3A, %swap3A_97], %add3A_96 {strides = array<i32>} : memref<256x128xf32, #tpu.memory_space<vmem>>, vector<256x128xf32>,
    %get3A_99 = arith.constant 0 : index
    %get3A_100 = arith.constant 0 : index
    %get3A_101 = vector.load %arg20[%get3A_99, %get3A_100] : memref<256x1xf32, #tpu.memory_space<vmem>>, vector<256x1xf32>
    %reduce_sum3A = arith.constant dense<0.000000e+00> : vector<256xf32>
    %reduce_sum3A_102 = vector.multi_reduction <add>, %convert_element_type3A_86, %reduce_sum3A [1] : vector<256x1024xf32> to vector<256xf32>
    %broadcast_in_dim3A_103 = vector.shape_cast %reduce_sum3A_102 : vector<256xf32> to vector<256x1xf32>
    %add3A_104 = arith.addf %get3A_101, %broadcast_in_dim3A_103 : vector<256x1xf32>
    %swap3A_105 = arith.constant 0 : index
    %swap3A_106 = arith.constant 0 : index
    %swap3A_107 = vector.load %arg20[%swap3A_105, %swap3A_106] : memref<256x1xf32, #tpu.memory_space<vmem>>, vector<256x1xf32>
    tpu.vector_store %arg20[%swap3A_105, %swap3A_106], %add3A_104 {strides = array<i32>} : memref<256x1xf32, #tpu.memory_space<vmem>>, vector<256x1xf32>,
    %eq3A_108 = arith.constant 9 : i32
    %eq3A_109 = arith.cmpi eq, %arg0, %eq3A_108 : i32
    %convert_element_type3A_110 = arith.extui %eq3A_109 : i1 to i32
    %cond3A_111 = arith.constant 0 : i32
    %cond3A_112 = arith.cmpi ne, %convert_element_type3A_110, %cond3A_111 : i32
    scf.if %cond3A_112 {
      %get3A_113 = arith.constant 0 : index
      %get3A_114 = arith.constant 0 : index
      %get3A_115 = vector.load %arg19[%get3A_113, %get3A_114] : memref<256x128xf32, #tpu.memory_space<vmem>>, vector<256x128xf32>
      %get3A_116 = arith.constant 0 : index
      %get3A_117 = arith.constant 0 : index
      %get3A_118 = vector.load %arg20[%get3A_116, %get3A_117] : memref<256x1xf32, #tpu.memory_space<vmem>>, vector<256x1xf32>
      %max3A_119 = arith.constant 1.000000e+00 : f32
      %max3A_120 = vector.broadcast %max3A_119 : f32 to vector<256x1xf32>
      %max3A_121 = arith.maximumf %get3A_118, %max3A_120 : vector<256x1xf32>
      %div3A = vector.broadcast %max3A_121 : vector<256x1xf32> to vector<256x128xf32>
      %div3A_122 = arith.divf %get3A_115, %div3A : vector<256x128xf32>
      %get3A_123 = arith.constant 0 : index
      %get3A_124 = arith.constant 0 : index
      %get3A_125 = vector.load %arg16[%get3A_123, %get3A_124] : memref<128x128xf32, #tpu.memory_space<vmem>>, vector<128x128xf32>
      %dot_general3A_126 = arith.constant dense<0.000000e+00> : vector<256x128xf32>
      %dot_general3A_127 = tpu.matmul %div3A_122, %get3A_125, %dot_general3A_126 {dimension_numbers = #tpu.dot_dimension_numbers<[1], [0], [0], [1], [0, 0, 1, 1], [], []>, transpose_lhs_hint = false} : vector<256x128xf32>, vector<128x128xf32>, vector<256x128xf32> -> vector<256x128xf32>
      %get3A_128 = arith.constant 0 : index
      %get3A_129 = arith.constant 0 : index
      %get3A_130 = vector.load %arg17[%get3A_128, %get3A_129] : memref<1x128xf32, #tpu.memory_space<vmem>>, vector<1x128xf32>
      %add3A_131 = vector.broadcast %get3A_130 : vector<1x128xf32> to vector<256x128xf32>
      %add3A_132 = arith.addf %dot_general3A_127, %add3A_131 : vector<256x128xf32>
      %swap3A_133 = arith.constant 0 : index
      %swap3A_134 = arith.constant 0 : index
      %swap3A_135 = vector.load %arg18[%swap3A_133, %swap3A_134] : memref<256x128xf32, #tpu.memory_space<vmem>>, vector<256x128xf32>
      tpu.vector_store %arg18[%swap3A_133, %swap3A_134], %add3A_132 {strides = array<i32>} : memref<256x128xf32, #tpu.memory_space<vmem>>, vector<256x128xf32>,
    } else {
    }
    return
  }
  func.func @transform_0(%arg0: i32) -> (i32, i32) {
    %c0_i32 = arith.constant 0 : i32
    %c0_i32_0 = arith.constant 0 : i32
    return %arg0, %c0_i32 : i32, i32
  }
  func.func @transform_1(%arg0: i32) -> (i32, i32, i32) {
    %c0_i32 = arith.constant 0 : i32
    %c0_i32_0 = arith.constant 0 : i32
    %c0_i32_1 = arith.constant 0 : i32
    return %c0_i32, %arg0, %c0_i32_0 : i32, i32, i32
  }
  func.func @transform_2(%arg0: i32) -> (i32, i32, i32) {
    %c0_i32 = arith.constant 0 : i32
    %c0_i32_0 = arith.constant 0 : i32
    %c0_i32_1 = arith.constant 0 : i32
    return %arg0, %c0_i32, %c0_i32_0 : i32, i32, i32
  }
  func.func @transform_3(%arg0: i32) -> (i32, i32) {
    %c0_i32 = arith.constant 0 : i32
    %c0_i32_0 = arith.constant 0 : i32
    %c0_i32_1 = arith.constant 0 : i32
    return %c0_i32, %c0_i32_0 : i32, i32
  }
  func.func @transform_4(%arg0: i32) -> (i32, i32) {
    %c0_i32 = arith.constant 0 : i32
    %c0_i32_0 = arith.constant 0 : i32
    %c0_i32_1 = arith.constant 0 : i32
    return %c0_i32, %c0_i32_0 : i32, i32
  }
  func.func @transform_5(%arg0: i32) -> (i32, i32) {
    %c0_i32 = arith.constant 0 : i32
    %c0_i32_0 = arith.constant 0 : i32
    %c0_i32_1 = arith.constant 0 : i32
    return %c0_i32, %c0_i32_0 : i32, i32
  }
  func.func @transform_6(%arg0: i32) -> (i32, i32) {
    %c0_i32 = arith.constant 0 : i32
    %c0_i32_0 = arith.constant 0 : i32
    %c0_i32_1 = arith.constant 0 : i32
    return %c0_i32, %c0_i32_0 : i32, i32
  }
  func.func @transform_7(%arg0: i32) -> (i32, i32) {
    %c0_i32 = arith.constant 0 : i32
    %c0_i32_0 = arith.constant 0 : i32
    %c0_i32_1 = arith.constant 0 : i32
    return %c0_i32, %c0_i32_0 : i32, i32
  }
  func.func @transform_8(%arg0: i32) -> (i32, i32) {
    %c0_i32 = arith.constant 0 : i32
    %c0_i32_0 = arith.constant 0 : i32
    %c0_i32_1 = arith.constant 0 : i32
    return %c0_i32, %c0_i32_0 : i32, i32
  }
  func.func @transform_9(%arg0: i32) -> (i32, i32) {
    %c0_i32 = arith.constant 0 : i32
    %c0_i32_0 = arith.constant 0 : i32
    %c0_i32_1 = arith.constant 0 : i32
    return %c0_i32, %c0_i32_0 : i32, i32
  }
  func.func @transform_10(%arg0: i32) -> (i32, i32) {
    %c0_i32 = arith.constant 0 : i32
    %c0_i32_0 = arith.constant 0 : i32
    %c0_i32_1 = arith.constant 0 : i32
    return %c0_i32, %c0_i32_0 : i32, i32
  }
  func.func @transform_11(%arg0: i32) -> (i32, i32) {
    %c0_i32 = arith.constant 0 : i32
    %c0_i32_0 = arith.constant 0 : i32
    %c0_i32_1 = arith.constant 0 : i32
    return %c0_i32, %c0_i32_0 : i32, i32
  }
  func.func @transform_12(%arg0: i32) -> (i32, i32) {
    %c0_i32 = arith.constant 0 : i32
    %c0_i32_0 = arith.constant 0 : i32
    %c0_i32_1 = arith.constant 0 : i32
    return %c0_i32, %c0_i32_0 : i32, i32
  }
  func.func @transform_13(%arg0: i32) -> (i32, i32) {
    %c0_i32 = arith.constant 0 : i32
    %c0_i32_0 = arith.constant 0 : i32
    %c0_i32_1 = arith.constant 0 : i32
    return %c0_i32, %c0_i32_0 : i32, i32
  }
  func.func @transform_14(%arg0: i32) -> (i32, i32) {
    %c0_i32 = arith.constant 0 : i32
    %c0_i32_0 = arith.constant 0 : i32
    %c0_i32_1 = arith.constant 0 : i32
    return %c0_i32, %c0_i32_0 : i32, i32
  }
  func.func @transform_15(%arg0: i32) -> (i32, i32) {
    %c0_i32 = arith.constant 0 : i32
    %c0_i32_0 = arith.constant 0 : i32
    %c0_i32_1 = arith.constant 0 : i32
    return %c0_i32, %c0_i32_0 : i32, i32
  }
  func.func @transform_16(%arg0: i32) -> (i32, i32) {
    %c0_i32 = arith.constant 0 : i32
    %c0_i32_0 = arith.constant 0 : i32
    %c0_i32_1 = arith.constant 0 : i32
    return %c0_i32, %c0_i32_0 : i32, i32
  }
  func.func @transform_17(%arg0: i32) -> (i32, i32) {
    %c0_i32 = arith.constant 0 : i32
    %c0_i32_0 = arith.constant 0 : i32
    %c0_i32_1 = arith.constant 0 : i32
    return %c0_i32, %c0_i32_0 : i32, i32
  }
}

</mosaic_0001>

<sc_bundles>
// kernel: kernel.11.cloned.1.call-start
scs
__scs_entry_jumppad:
0x0: {  	(pc) =	sbr.rel $0x88, $3  }
0x1: {  	(tag) =	ssettag $0x0;
	lr =	simm.s32 $0x1  }
0x2: {  	[smem:$0x3F90] =	sst lr;
	_ =	strace $0xD0000000  }
0x3: {  	_ = 	snop  }
0x4: {  	_ = 	snop  }
0x5: {  	_ = 	snop  }
0x6: {  	_ = 	snop  }
0x7: {  	_ = 	snop  }
__scs_overlays_trampoline_lowered:
0x8: {  	[smem:$0x3F9F] =	sst s0  }
0x9: {  	[smem:$0x3FA0] =	sst s1  }
0xa: {  	[smem:$0x3FA1] =	sst s2  }
0xb: {  	[smem:$0x3FA2] =	sst s3  }
0xc: {  	[smem:$0x3FA3] =	sst s4  }
0xd: {  	[smem:$0x3FA4] =	sst s5  }
0xe: {  	[smem:$0x3FA5] =	sst s6  }
0xf: {  	[smem:$0x3FA6] =	sst s7  }
0x10: {  	[smem:$0x3FA7] =	sst s8  }
0x11: {  	[smem:$0x3FA8] =	sst s9;
	s0 =	simm.s32 @!p0 $0x0  }
0x12: {  	s1 =	sld [smem:$0x3F8E];
	s0 =	simm.s32 @p0 $0x1  }
0x13: {  	[smem:$0x3FA9] =	sst s0;
	s0 =	simm.s32 @!p1 $0x0  }
0x14: {  	s2 =	sld [smem:$0x3F8D];
	s0 =	simm.s32 @p1 $0x1  }
0x15: {  	[smem:$0x3FAA] =	sst s0;
	s0 =	simm.s32 @!p2 $0x0  }
0x16: {  	s3 =	sld [smem:$0x3FDB];
	s0 =	simm.s32 @p2 $0x1  }
0x17: {  	s4 =	simm.s32 $0x1BF5;
	[smem:$0x3FAC] =	sst s0  }
0x18: {  	s0 =	sld [smem:$0x3F8F];
	_ =	swait.ge [sflag:s4], $0x0  }
0x19: {  	s7 =	sld [smem:$0x3F90]  }
0x1a: {  	s8 =	sadd.s32 $0xFFFFE003, lr  }
0x1b: {  	s9 =	sadd.s32 $0xFFFFFEF7, lr;
	s5 =	simm.s32 $0xFFFFFFFF;
	p2 =	slt.u32 s8, $0xFFFFF086  }
0x1c: {  	p1 =	slt.u32 s9, $0xF7A;
	s5 =	simm.s32 @!p2 $0x0  }
0x1d: {  	s5 =	simm.s32 @p1 $0x1;
	p0 =	seq.s32 s7, s2  }
0x1e: {  	s7 =	smul.u32 @!p0 $0xF7A, s2;
	p2 =	seq.s32 @!p0 s5, $0x0  }
0x1f: {  	s9 =	smul.u32 $0xF7A, s1;
	s8 =	simm.s32 @!p0 $0x1BF5;
	p2 =	por !p2, p0  }
0x20: {  	[sflag:s8] =	ssyncset.s32 @!p0 $0xFFFFF086;
	s6 =	sadd.s32 @!p0 s3, s7;
	s7 =	simm.s32 @!p0 $0x108  }
0x21: {  	s3 =	sadd.s32 s3, s9;
	s6 =	sadd.s32 @!p0 $0x88, s6;
	s7 =	simm.s32 @p2 $0x1082  }
0x22: {  	[simem:s7], [sflag:s8] =	dma.local @!p0 [hbm:s6], $0xF7A  }
0x23: {  	s9 =	sor.u32 $0xD0000000, s2;
	s6 =	simm.s32 $0x108;
	_ =	swait.ge @!p0 [sflag:s8], $0x0  }
0x24: {  	s3 =	sadd.s32 $0x88, s3;
	s6 =	simm.s32 @!p1 $0x1082;
	[sflag:s4] =	ssyncset.s32 $0xFFFFF086  }
0x25: {  	[simem:s6], [sflag:s4] =	dma.local [hbm:s3], $0xF7A  }
0x26: {  	[smem:$0x3F90] =	sst s1;
	(tag) =	ssettag s2;
	_ =	strace s9  }
0x27: {  	s1 =	sld [smem:$0x3FA0]  }
0x28: {  	s2 =	sld [smem:$0x3FA1]  }
0x29: {  	s4 =	sld [smem:$0x3FA3]  }
0x2a: {  	p0 =	seq.s32 s5, $0x0;
	s5 =	sld [smem:$0x3FA4]  }
0x2b: {  	s6 =	sld [smem:$0x3FA5]  }
0x2c: {  	s7 =	sld [smem:$0x3FA6]  }
0x2d: {  	s3 =	simm.s32 $0x108;
	s8 =	sld [smem:$0x3FA7]  }
0x2e: {  	s3 =	simm.s32 @!p0 $0x1082;
	s9 =	sld [smem:$0x3FA8]  }
0x2f: {  	lr =	sadd.s32 s0, s3;
	s0 =	sld [smem:$0x3F9F]  }
0x30: {  	s3 =	sld [smem:$0x3FA2]  }
0x31: {  	[smem:$0x3FAB] =	sst s10  }
0x32: {  	s10 =	sld [smem:$0x3FA9];
	_ =	sdelay $0x3  }
0x33: {  	p0 =	seq.s32 s10, $0x1;
	s10 =	sld [smem:$0x3FAB];
	_ =	sdelay $0x3  }
0x34: {  	[smem:$0x3FAB] =	sst s10  }
0x35: {  	s10 =	sld [smem:$0x3FAA];
	_ =	sdelay $0x3  }
0x36: {  	p1 =	seq.s32 s10, $0x1;
	s10 =	sld [smem:$0x3FAB];
	_ =	sdelay $0x3  }
0x37: {  	[smem:$0x3FAB] =	sst s10  }
0x38: {  	s10 =	sld [smem:$0x3FAC]  }
0x39: {  	_ = 	snop;
	(pc) =	sbr.ind lr, $3  }
0x3a: {  	_ = 	snop  }
0x3b: {  	_ = 	snop  }
0x3c: {  	p2 =	seq.s32 s10, $0x1;
	s10 =	sld [smem:$0x3FAB]  }
0x3d: {  	_ =	shalt  }
0x3e: {  	_ =	shalt  }
0x3f: {  	_ =	shalt  }
0x40: {  	_ =	shalt  }
0x41: {  	_ =	shalt  }
0x42: {  	_ =	shalt  }
0x43: {  	_ =	shalt  }
0x44: {  	_ =	shalt  }
0x45: {  	_ =	shalt  }
0x46: {  	_ =	shalt  }
0x47: {  	_ =	shalt  }
0x48: {  	_ =	shalt  }
0x49: {  	_ =	shalt  }
0x4a: {  	_ =	shalt  }
0x4b: {  	_ =	shalt  }
0x4c: {  	_ =	shalt  }
0x4d: {  	_ =	shalt  }
0x4e: {  	_ =	shalt  }
0x4f: {  	_ =	shalt  }
0x50: {  	_ =	shalt  }
0x51: {  	_ =	shalt  }
0x52: {  	_ =	shalt  }
0x53: {  	_ =	shalt  }
0x54: {  	_ =	shalt  }
0x55: {  	_ =	shalt  }
0x56: {  	_ =	shalt  }
0x57: {  	_ =	shalt  }
0x58: {  	_ =	shalt  }
0x59: {  	_ =	shalt  }
0x5a: {  	_ =	shalt  }
0x5b: {  	_ =	shalt  }
0x5c: {  	_ =	shalt  }
0x5d: {  	_ =	shalt  }
0x5e: {  	_ =	shalt  }
0x5f: {  	_ =	shalt  }
0x60: {  	_ =	shalt  }
0x61: {  	_ =	shalt  }
0x62: {  	_ =	shalt  }
0x63: {  	_ =	shalt  }
0x64: {  	_ =	shalt  }
0x65: {  	_ =	shalt  }
0x66: {  	_ =	shalt  }
0x67: {  	_ =	shalt  }
0x68: {  	_ =	shalt  }
0x69: {  	_ =	shalt  }
0x6a: {  	_ =	shalt  }
0x6b: {  	_ =	shalt  }
0x6c: {  	_ =	shalt  }
0x6d: {  	_ =	shalt  }
0x6e: {  	_ =	shalt  }
0x6f: {  	_ =	shalt  }
0x70: {  	_ =	shalt  }
0x71: {  	_ =	shalt  }
0x72: {  	_ =	shalt  }
0x73: {  	_ =	shalt  }
0x74: {  	_ =	shalt  }
0x75: {  	_ =	shalt  }
0x76: {  	_ =	shalt  }
0x77: {  	_ =	shalt  }
0x78: {  	_ =	shalt  }
0x79: {  	_ =	shalt  }
0x7a: {  	_ =	shalt  }
0x7b: {  	_ =	shalt  }
0x7c: {  	_ =	shalt  }
0x7d: {  	_ =	shalt  }
0x7e: {  	_ =	shalt  }
0x7f: {  	_ =	shalt  }
0x80: {  	_ =	shalt  }
0x81: {  	_ =	shalt  }
0x82: {  	_ =	shalt  }
0x83: {  	_ =	shalt  }
0x84: {  	_ =	shalt  }
0x85: {  	_ =	shalt  }
0x86: {  	_ =	shalt  }
0x87: {  	_ =	shalt  }
.Lfunc_end0:
.L_simem_size_0:
called_computation.1_lowered:
.L_overlay_start_0:
0x88: {  	s2 =	sld [smem:$0x3FD9]  }
0x89: {  	s3 =	sld [smem:$0x3FFE];
	_ =	sdelay $0x1  }
0x8a: {  	s1 =	srdreg.scid  }
0x8b: {  	s0 =	sand.u32 $0x1, s1  }
0x8c: {  	s16 =	sshll.u32 s0, $0xA;
	s2 =	sadd.s32 s3, s2  }
0x8d: {  	s2 =	sadd.s32 s2, s16  }
0x8e: {  	[smem:$0x3FB7] =	sst s2  }
0x8f: {  	_ = 	snop  }
0x90: {  	(tm) =	ssettm $0x1  }
0x91: {  	s17 =	sld [smem:$0x3FFB];
	_ =	sdelay $0x3  }
0x92: {  	_ =	strace s17  }
0x93: {  	s2 =	sld [smem:$0x3FFC];
	_ =	sdelay $0x3  }
0x94: {  	_ =	strace s2  }
0x95: {  	s2 =	sld [smem:$0x3FFD];
	_ =	sdelay $0x3  }
0x96: {  	_ =	strace s2  }
0x97: {  	_ =	strace $0x8FFFFFFF  }
0x98: {  	s18 =	sld [smem:$0x3FDB];
	_ =	sdelay $0x1  }
0x99: {  	s19 =	simm.s32 $_scs_section_size  }
0x9a: {  	s4 =	simm.s32 $_size__tile_overlayer_lowered;
	s5 =	simm.s32 $_tile_overlayer_lowered  }
0x9b: {  	s22 =	simm.s32 $0x1BFF;
	s21 =	sshll.u32 s5, $0x1;
	s2 =	sadd.s32 s19, s18  }
0x9c: {  	s6 =	simm.s32 $0x0;
	s20 =	sshll.u32 s4, $0x1;
	s4 =	sadd.s32 s21, s2  }
0x9d: {  	[timem:s6], [sflag:s22] =	dma.local [hbm:s4], s20  }
0x9e: {  	_ =	swait.ge [sflag:s22], s20  }
0x9f: {  	s3 =	ssub.s32 $0x0, s20;
	[sflag:s22] =	ssyncset.done $0x0  }
0xa0: {  	[sflag:s22] =	ssyncadd.s32 s3;
	_ =	sdelay $0x1  }
0xa1: {  	s23 =	simm.s32 $0x1B8B  }
0xa2: {  	_ =	swait.ge [sflag:s23], $0x1  }
0xa3: {  	[sflag:s23] =	ssyncset.done $0x0  }
0xa4: {  	s25 =	simm.s32 $0x1B8E;
	s24 =	sld [smem:$0x3FFE];
	[sflag:s23] =	ssyncadd.s32 $0xFFFFFFFF  }
0xa5: {  	s26 =	simm.s32 $execute0_lowered;
	[smem:$0x3FD2] =	sst s25  }
0xa6: {  	s4 =	sshll.u32 s26, $0x1;
	_ =	strace $0x80000049;
	[dreg:$0x1] =	wrdreg $0xFFFFFFFF  }
0xa7: {  	s28 =	simm.s32 $_size_execute0_lowered;
	s2 =	sadd.s32 s2, s4;
	[dreg:$0x0] =	wrdreg $0x0  }
0xa8: {  	s4 =	sshll.u32 s28, $0x1;
	[dreg:$0x2] =	wrdreg s2  }
0xa9: {  	[dreg:$0x3] =	wrdreg s4  }
0xaa: {  	[dreg:$0x4] =	wrdreg $0xC0  }
0xab: {  	_ =	task [dreg:s6], $0x5FFFF  }
0xac: {  	[dreg:$0x1] =	wrdreg $0xFFFFFFFF  }
0xad: {  	[dreg:$0x0] =	wrdreg $0x60  }
0xae: {  	[dreg:$0x2] =	wrdreg s24  }
0xaf: {  	[dreg:$0x3] =	wrdreg $0x90000  }
0xb0: {  	[dreg:$0x4] =	wrdreg $0x9  }
0xb1: {  	_ =	task.clear_ibuf [dreg:s6], $0x5FFFF;
	_ =	strace $0x90000049  }
0xb2: {  	s29 =	simm.s32 $0x9;
	_ =	strace $0x8000004B  }
0xb3: {  	_ =	swait.ge [sflag:s29], $0x1  }
0xb4: {  	[sflag:s29] =	ssyncadd.s32 $0xFFFFFFFF  }
0xb5: {  	_ =	strace $0x9000004B  }
0xb6: {  	_ =	sfence  }
0xb7: {  	s30 =	sld [smem:$0x0];
	_ =	sdelay $0x2  }
0xb8: {  	s31 =	sshll.u32 s1, $0xD;
	s1 =	sshrl.u32 s1, $0x2  }
0xb9: {  	s3 =	sand.u32 $0x4000, s31;
	s1 =	sadd.s32 s1, s30  }
0xba: {  	s0 =	sor.u32 s3, s0;
	s1 =	sshll.u32 s1, $0x11  }
0xbb: {  	s0 =	sor.u32 s1, s0  }
0xbc: {  	s0 =	sadd.s32 $0x8F2B, s0  }
0xbd: {  	[sflag:s0] =	ssyncadd.remote.s32 $0x1  }
0xbe: {  	_ =	sfence.sel $0xFFFF  }
0xbf: {  	[dreg:$0x0] =	wrdreg $0xFFFFFFFF;
	(pc) =	sbr.abs _section_cstart, $3  }
0xc0: {  	[dreg:$0x1] =	wrdreg $0xFFFFFFFF  }
0xc1: {  	_ =	task.clear_ibuf [dreg:s6], $0x2FFFF;
	_ =	strace $0x9FFFFFFF  }
0xc2: {  	(tm) =	ssettm $0x7FFFFFFF  }
0xc3: {  	_ =	shalt  }
tec
execute0_lowered:
.L_overlay_start_1:
0x0: {  	(tag) =	ssettag $0x1  }
0x1: {  	s5 =	rddreg [dreg:$0x0]  }
0x2: {  	s2 =	rddreg [dreg:$0x1]  }
0x3: {  	s0 =	rddreg [dreg:$0x2];
	s4 =	srdreg.scid  }
0x4: {  	s1 =	stileid.u32;
	s3 =	simm.s32 $0x0;
	s14 =	simm.s32 $0x80  }
0x5: {  	s15 =	simm.s32 $0x5000;
	s16 =	simm.s32 $0x1;
	s17 =	simm.s32 $0x0  }
0x6: {  	s6 =	sand.u32 $0x1, s4;
	s7 =	smul.u32 $0x14000, s1;
	[smem:$0x7FF] =	sst s3  }
0x7: {  	s26 =	sshll.u32 s1, $0x1;
	s4 =	sadd.s32 $0x18600, s5;
	s10 =	smul.u32 $0x50000, s1  }
0x8: {  	s31 =	sshll.u32 s1, $0x6;
	s8 =	smul.u32 $0x140000, s6;
	s9 =	sor.u32 s6, s26  }
0x9: {  	_ =	strace $0x8000004A;
	s6 =	ssub.s32 $0x2, s6;
	s9 =	smul.u32 $0x500, s9  }
0xa: {  	s28 =	sshrl.u32 s6, $0x1;
	s29 =	sshrl.u32 s10, $0x2;
	s30 =	sshrl.u32 s7, $0x3  }
0xb: {  	s8 =	sadd.s32 s7, s8;
	s12 =	ssub.s32 s6, s28;
	s13 =	sadd.s32 s29, s2  }
0xc: {  	s6 =	sor.u32 $0x1C02, s31;
	s8 =	sshrl.u32 s8, $0x3;
	s9 =	sadd.s32 s9, s5  }
0xd: {  	s10 =	smax.u32 s12, $0x1;
	s12 =	simm.s32 $0x2;
	s11 =	sadd.s32 s8, s5  }
0xe: {  	s5 =	sadd.s32 s4, s30;
	s7 =	sadd.s32 $0x4600, s9;
	s8 =	sadd.s32 $0xE600, s9  }
0xf: {  	s9 =	sadd.s32 $0x40600, s11;
	s11 =	sshrl.u32 s13, $0x3;
	s13 =	simm.s32 $0x2800  }
.LBB2_1:
0x10: {  	[spmem:s11], [sflag:s6] =	dma.local [hbm:s5], $0x2800  }
0x11: {  	_ =	swait.ge [sflag:s12], $0x2800  }
0x12: {  	[sflag:s12] =	ssyncset.done $0x0  }
0x13: {  	[sflag:s12] =	ssyncadd.s32 $0xFFFFD800  }
0x14: {  	[tilespmem:s3], [sflag:$0x2] =	stream.linear.gather [hbm4b:s7+s3], $0x2800, $0x38;
	[tilespmem:$0x1D000] =	vst v63  }
0x15: {  	_ =	swait.ge [sflag:s12], $0x2800  }
0x16: {  	[sflag:s12] =	ssyncset.done $0x0  }
0x17: {  	[sflag:s12] =	ssyncadd.s32 $0xFFFFD800  }
0x18: {  	[tilespmem:s13], [sflag:$0x2] =	stream.linear.gather [hbm4b:s8+s3], $0x2800, $0x38;
	[tilespmem:$0x1D000] =	vst v63  }
0x19: {  	_ =	swait.ge [sflag:s12], $0x2800  }
0x1a: {  	[sflag:s12] =	ssyncset.done $0x0  }
0x1b: {  	[sflag:s12] =	ssyncadd.s32 $0xFFFFD800  }
0x1c: {  	s18 =	simm.s32 $0x0;
	[bflag:$0x0] =	sbarrier.arrive $0xFFFF  }
0x1d: {  	[tilespmem:s15], [sflag:$0x1] =	stream.indirect.gather [hbm4b:s4+s14], $0x80, s18, s14, $0xb8;
	[tilespmem:$0x1D000] =	vst v63  }
0x1e: {  	_ =	swait.ge [sflag:s16], $0x4000  }
0x1f: {  	[sflag:s16] =	ssyncset.done $0x0  }
0x20: {  	s31 =	simm.s32 $0x2800;
	[sflag:s16] =	ssyncadd.s32 $0xFFFFC000  }
0x21: {  	[spmem:s2] =	stream.indirect.scatter.add.f32 [tilespmem:s15], [sflag:$0x2], $0x80, s31, s14, $0xb8;
	[tilespmem:$0x1D000] =	vst v63  }
0x22: {  	_ =	swait.ge [sflag:s12], $0x4000  }
0x23: {  	s19 =	simm.s32 $0x400;
	s18 =	simm.s32 $0x200;
	[sflag:s12] =	ssyncset.done $0x0  }
.LBB2_2:
0x24: {  	s20 =	sshra.s32 s18, $0x2  }
0x25: {  	[sflag:s12] =	ssyncadd.s32 $0xFFFFC000;
	s18 =	smov.u32 s19;
	s21 =	sadd.s32 $0x200, s19  }
0x26: {  	[tilespmem:s15], [sflag:$0x1] =	stream.indirect.gather [hbm4b:s4+s14], $0x80, s20, s14, $0xb8;
	[tilespmem:$0x1D000] =	vst v63  }
0x27: {  	p0 =	sne.s32 s19, $0x9E00;
	_ =	swait.ge [sflag:s16], $0x4000  }
.Ltmp0:
0x28: {  	[sflag:s16] =	ssyncset.done $0x0;
	(pc) =	sbr.rel @p0 .LBB2_2-.Ltmp0, $4  }
0x29: {  	s19 =	sadd.s32 $0x2800, s20;
	[sflag:s16] =	ssyncadd.s32 $0xFFFFC000  }
0x2a: {  	[spmem:s2] =	stream.indirect.scatter.add.f32 [tilespmem:s15], [sflag:$0x2], $0x80, s19, s14, $0xb8;
	[tilespmem:$0x1D000] =	vst v63  }
0x2b: {  	_ =	swait.ge [sflag:s12], $0x4000  }
0x2c: {  	s19 =	smov.u32 s21;
	[sflag:s12] =	ssyncset.done $0x0  }
0x2d: {  	s18 =	sshra.s32 s18, $0x2;
	[sflag:s12] =	ssyncadd.s32 $0xFFFFC000  }
0x2e: {  	[tilespmem:s15], [sflag:$0x1] =	stream.indirect.gather [hbm4b:s4+s14], $0x80, s18, s14, $0xb8;
	[tilespmem:$0x1D000] =	vst v63  }
0x2f: {  	_ =	swait.ge [sflag:s16], $0x4000  }
0x30: {  	[sflag:s16] =	ssyncset.done $0x0  }
0x31: {  	s18 =	sadd.s32 $0x2800, s18;
	[sflag:s16] =	ssyncadd.s32 $0xFFFFC000  }
0x32: {  	[spmem:s2] =	stream.indirect.scatter.add.f32 [tilespmem:s15], [sflag:$0x2], $0x80, s18, s14, $0xb8;
	[tilespmem:$0x1D000] =	vst v63  }
0x33: {  	_ =	swait.ge [sflag:s12], $0x4000  }
0x34: {  	s17 =	sadd.s32 $0x1, s17;
	[sflag:s12] =	ssyncset.done $0x0  }
0x35: {  	p0 =	sne.s32 s17, s10;
	[sflag:s12] =	ssyncadd.s32 $0xFFFFC000  }
.Ltmp1:
0x36: {  	[bflag:$0x0] =	sbarrier.arrive $0xFFFF;
	(pc) =	sbr.rel @p0 .LBB2_1-.Ltmp1, $4  }
0x37: {  	[hbm:s9], [sflag:s6] =	dma.local [spmem:s11], $0x2800  }
0x38: {  	_ =	swait.ge [sflag:s12], $0x2800  }
0x39: {  	[sflag:s12] =	ssyncset.done $0x0  }
0x3a: {  	[sflag:s12] =	ssyncadd.s32 $0xFFFFD800  }
0x3b: {  	_ =	sfence.sel $0x180000  }
0x3c: {  	[bflag:$0x0] =	sbarrier.arrive $0xFFFF  }
0x3d: {  	p0 =	sne.s32 s1, $0x0;
	_ =	strace $0x9000004A  }
0x3e: {  	s0 =	sadd.s32 @!p0 $0x100000, s0;
	[bflag:$0x2] =	sbarrier.arrive $0xFFFF  }
0x3f: {  	[sflag:s0] =	ssyncadd.tile.s32 @!p0 $0x1;
	_ =	shalt  }
.Lfunc_end2:
_tile_overlayer_lowered:
.L_overlay_start_2:
0x40: {  	(tag) =	ssettag $0x2  }
0x41: {  	s0 =	rddreg [dreg:$0x0];
	s2 =	stileid.u32  }
0x42: {  	s1 =	rddreg [dreg:$0x1];
	p0 =	sne.s32 s2, $0x0  }
0x43: {  	s3 =	rddreg [dreg:$0x2];
	[bflag:$0x3] =	sbarrier.arrive $0xFFFF;
	s2 =	simm.s32 @!p0 $0x1C02  }
0x44: {  	[timem:s3], [sflag:s2] =	dma.local @!p0 [hbm:s0], s1  }
0x45: {  	s0 =	simm.s32 @!p0 $0x2  }
0x46: {  	_ =	swait.ge @!p0 [sflag:s0], s1  }
0x47: {  	s1 =	ssub.s32 @!p0 $0x0, s1;
	[sflag:s0] =	ssyncset.done @!p0 $0x0  }
0x48: {  	[sflag:s0] =	ssyncadd.s32 @!p0 s1  }
0x49: {  	[bflag:$0x3] =	sbarrier.arrive $0xFFFF  }
0x4a: {  	_ =	shalt  }

// kernel: kernel.14.cloned.1.call-start
scs
__scs_entry_jumppad:
0x0: {  	(pc) =	sbr.rel $0x88, $3  }
0x1: {  	(tag) =	ssettag $0x0;
	lr =	simm.s32 $0x1  }
0x2: {  	[smem:$0x3F90] =	sst lr;
	_ =	strace $0xD0000000  }
0x3: {  	_ = 	snop  }
0x4: {  	_ = 	snop  }
0x5: {  	_ = 	snop  }
0x6: {  	_ = 	snop  }
0x7: {  	_ = 	snop  }
__scs_overlays_trampoline_lowered:
0x8: {  	[smem:$0x3F9F] =	sst s0  }
0x9: {  	[smem:$0x3FA0] =	sst s1  }
0xa: {  	[smem:$0x3FA1] =	sst s2  }
0xb: {  	[smem:$0x3FA2] =	sst s3  }
0xc: {  	[smem:$0x3FA3] =	sst s4  }
0xd: {  	[smem:$0x3FA4] =	sst s5  }
0xe: {  	[smem:$0x3FA5] =	sst s6  }
0xf: {  	[smem:$0x3FA6] =	sst s7  }
0x10: {  	[smem:$0x3FA7] =	sst s8  }
0x11: {  	[smem:$0x3FA8] =	sst s9;
	s0 =	simm.s32 @!p0 $0x0  }
0x12: {  	s1 =	sld [smem:$0x3F8E];
	s0 =	simm.s32 @p0 $0x1  }
0x13: {  	[smem:$0x3FA9] =	sst s0;
	s0 =	simm.s32 @!p1 $0x0  }
0x14: {  	s2 =	sld [smem:$0x3F8D];
	s0 =	simm.s32 @p1 $0x1  }
0x15: {  	[smem:$0x3FAA] =	sst s0;
	s0 =	simm.s32 @!p2 $0x0  }
0x16: {  	s3 =	sld [smem:$0x3FDB];
	s0 =	simm.s32 @p2 $0x1  }
0x17: {  	s4 =	simm.s32 $0x1BF5;
	[smem:$0x3FAC] =	sst s0  }
0x18: {  	s0 =	sld [smem:$0x3F8F];
	_ =	swait.ge [sflag:s4], $0x0  }
0x19: {  	s7 =	sld [smem:$0x3F90]  }
0x1a: {  	s8 =	sadd.s32 $0xFFFFE003, lr  }
0x1b: {  	s9 =	sadd.s32 $0xFFFFFEF7, lr;
	s5 =	simm.s32 $0xFFFFFFFF;
	p2 =	slt.u32 s8, $0xFFFFF086  }
0x1c: {  	p1 =	slt.u32 s9, $0xF7A;
	s5 =	simm.s32 @!p2 $0x0  }
0x1d: {  	s5 =	simm.s32 @p1 $0x1;
	p0 =	seq.s32 s7, s2  }
0x1e: {  	s7 =	smul.u32 @!p0 $0xF7A, s2;
	p2 =	seq.s32 @!p0 s5, $0x0  }
0x1f: {  	s9 =	smul.u32 $0xF7A, s1;
	s8 =	simm.s32 @!p0 $0x1BF5;
	p2 =	por !p2, p0  }
0x20: {  	[sflag:s8] =	ssyncset.s32 @!p0 $0xFFFFF086;
	s6 =	sadd.s32 @!p0 s3, s7;
	s7 =	simm.s32 @!p0 $0x108  }
0x21: {  	s3 =	sadd.s32 s3, s9;
	s6 =	sadd.s32 @!p0 $0x88, s6;
	s7 =	simm.s32 @p2 $0x1082  }
0x22: {  	[simem:s7], [sflag:s8] =	dma.local @!p0 [hbm:s6], $0xF7A  }
0x23: {  	s9 =	sor.u32 $0xD0000000, s2;
	s6 =	simm.s32 $0x108;
	_ =	swait.ge @!p0 [sflag:s8], $0x0  }
0x24: {  	s3 =	sadd.s32 $0x88, s3;
	s6 =	simm.s32 @!p1 $0x1082;
	[sflag:s4] =	ssyncset.s32 $0xFFFFF086  }
0x25: {  	[simem:s6], [sflag:s4] =	dma.local [hbm:s3], $0xF7A  }
0x26: {  	[smem:$0x3F90] =	sst s1;
	(tag) =	ssettag s2;
	_ =	strace s9  }
0x27: {  	s1 =	sld [smem:$0x3FA0]  }
0x28: {  	s2 =	sld [smem:$0x3FA1]  }
0x29: {  	s4 =	sld [smem:$0x3FA3]  }
0x2a: {  	p0 =	seq.s32 s5, $0x0;
	s5 =	sld [smem:$0x3FA4]  }
0x2b: {  	s6 =	sld [smem:$0x3FA5]  }
0x2c: {  	s7 =	sld [smem:$0x3FA6]  }
0x2d: {  	s3 =	simm.s32 $0x108;
	s8 =	sld [smem:$0x3FA7]  }
0x2e: {  	s3 =	simm.s32 @!p0 $0x1082;
	s9 =	sld [smem:$0x3FA8]  }
0x2f: {  	lr =	sadd.s32 s0, s3;
	s0 =	sld [smem:$0x3F9F]  }
0x30: {  	s3 =	sld [smem:$0x3FA2]  }
0x31: {  	[smem:$0x3FAB] =	sst s10  }
0x32: {  	s10 =	sld [smem:$0x3FA9];
	_ =	sdelay $0x3  }
0x33: {  	p0 =	seq.s32 s10, $0x1;
	s10 =	sld [smem:$0x3FAB];
	_ =	sdelay $0x3  }
0x34: {  	[smem:$0x3FAB] =	sst s10  }
0x35: {  	s10 =	sld [smem:$0x3FAA];
	_ =	sdelay $0x3  }
0x36: {  	p1 =	seq.s32 s10, $0x1;
	s10 =	sld [smem:$0x3FAB];
	_ =	sdelay $0x3  }
0x37: {  	[smem:$0x3FAB] =	sst s10  }
0x38: {  	s10 =	sld [smem:$0x3FAC]  }
0x39: {  	_ = 	snop;
	(pc) =	sbr.ind lr, $3  }
0x3a: {  	_ = 	snop  }
0x3b: {  	_ = 	snop  }
0x3c: {  	p2 =	seq.s32 s10, $0x1;
	s10 =	sld [smem:$0x3FAB]  }
0x3d: {  	_ =	shalt  }
0x3e: {  	_ =	shalt  }
0x3f: {  	_ =	shalt  }
0x40: {  	_ =	shalt  }
0x41: {  	_ =	shalt  }
0x42: {  	_ =	shalt  }
0x43: {  	_ =	shalt  }
0x44: {  	_ =	shalt  }
0x45: {  	_ =	shalt  }
0x46: {  	_ =	shalt  }
0x47: {  	_ =	shalt  }
0x48: {  	_ =	shalt  }
0x49: {  	_ =	shalt  }
0x4a: {  	_ =	shalt  }
0x4b: {  	_ =	shalt  }
0x4c: {  	_ =	shalt  }
0x4d: {  	_ =	shalt  }
0x4e: {  	_ =	shalt  }
0x4f: {  	_ =	shalt  }
0x50: {  	_ =	shalt  }
0x51: {  	_ =	shalt  }
0x52: {  	_ =	shalt  }
0x53: {  	_ =	shalt  }
0x54: {  	_ =	shalt  }
0x55: {  	_ =	shalt  }
0x56: {  	_ =	shalt  }
0x57: {  	_ =	shalt  }
0x58: {  	_ =	shalt  }
0x59: {  	_ =	shalt  }
0x5a: {  	_ =	shalt  }
0x5b: {  	_ =	shalt  }
0x5c: {  	_ =	shalt  }
0x5d: {  	_ =	shalt  }
0x5e: {  	_ =	shalt  }
0x5f: {  	_ =	shalt  }
0x60: {  	_ =	shalt  }
0x61: {  	_ =	shalt  }
0x62: {  	_ =	shalt  }
0x63: {  	_ =	shalt  }
0x64: {  	_ =	shalt  }
0x65: {  	_ =	shalt  }
0x66: {  	_ =	shalt  }
0x67: {  	_ =	shalt  }
0x68: {  	_ =	shalt  }
0x69: {  	_ =	shalt  }
0x6a: {  	_ =	shalt  }
0x6b: {  	_ =	shalt  }
0x6c: {  	_ =	shalt  }
0x6d: {  	_ =	shalt  }
0x6e: {  	_ =	shalt  }
0x6f: {  	_ =	shalt  }
0x70: {  	_ =	shalt  }
0x71: {  	_ =	shalt  }
0x72: {  	_ =	shalt  }
0x73: {  	_ =	shalt  }
0x74: {  	_ =	shalt  }
0x75: {  	_ =	shalt  }
0x76: {  	_ =	shalt  }
0x77: {  	_ =	shalt  }
0x78: {  	_ =	shalt  }
0x79: {  	_ =	shalt  }
0x7a: {  	_ =	shalt  }
0x7b: {  	_ =	shalt  }
0x7c: {  	_ =	shalt  }
0x7d: {  	_ =	shalt  }
0x7e: {  	_ =	shalt  }
0x7f: {  	_ =	shalt  }
0x80: {  	_ =	shalt  }
0x81: {  	_ =	shalt  }
0x82: {  	_ =	shalt  }
0x83: {  	_ =	shalt  }
0x84: {  	_ =	shalt  }
0x85: {  	_ =	shalt  }
0x86: {  	_ =	shalt  }
0x87: {  	_ =	shalt  }
.Lfunc_end0:
.L_simem_size_0:
called_computation.2_lowered:
.L_overlay_start_0:
0x88: {  	s2 =	sld [smem:$0x3FD9]  }
0x89: {  	s3 =	sld [smem:$0x3FFE];
	_ =	sdelay $0x1  }
0x8a: {  	s1 =	srdreg.scid  }
0x8b: {  	s0 =	sand.u32 $0x1, s1  }
0x8c: {  	s16 =	sshll.u32 s0, $0xA;
	s2 =	sadd.s32 s3, s2  }
0x8d: {  	s2 =	sadd.s32 s2, s16  }
0x8e: {  	[smem:$0x3FB7] =	sst s2  }
0x8f: {  	_ = 	snop  }
0x90: {  	(tm) =	ssettm $0x1  }
0x91: {  	s17 =	sld [smem:$0x3FFB];
	_ =	sdelay $0x3  }
0x92: {  	_ =	strace s17  }
0x93: {  	s2 =	sld [smem:$0x3FFC];
	_ =	sdelay $0x3  }
0x94: {  	_ =	strace s2  }
0x95: {  	s2 =	sld [smem:$0x3FFD];
	_ =	sdelay $0x3  }
0x96: {  	_ =	strace s2  }
0x97: {  	_ =	strace $0x8FFFFFFF  }
0x98: {  	s18 =	sld [smem:$0x3FDB];
	_ =	sdelay $0x1  }
0x99: {  	s19 =	simm.s32 $_scs_section_size  }
0x9a: {  	s4 =	simm.s32 $_size__tile_overlayer_lowered;
	s5 =	simm.s32 $_tile_overlayer_lowered  }
0x9b: {  	s22 =	simm.s32 $0x1BFF;
	s21 =	sshll.u32 s5, $0x1;
	s2 =	sadd.s32 s19, s18  }
0x9c: {  	s6 =	simm.s32 $0x0;
	s20 =	sshll.u32 s4, $0x1;
	s4 =	sadd.s32 s21, s2  }
0x9d: {  	[timem:s6], [sflag:s22] =	dma.local [hbm:s4], s20  }
0x9e: {  	_ =	swait.ge [sflag:s22], s20  }
0x9f: {  	s3 =	ssub.s32 $0x0, s20;
	[sflag:s22] =	ssyncset.done $0x0  }
0xa0: {  	[sflag:s22] =	ssyncadd.s32 s3;
	_ =	sdelay $0x1  }
0xa1: {  	s23 =	simm.s32 $0x1B8B  }
0xa2: {  	_ =	swait.ge [sflag:s23], $0x1  }
0xa3: {  	[sflag:s23] =	ssyncset.done $0x0  }
0xa4: {  	s25 =	simm.s32 $0x1B8E;
	s24 =	sld [smem:$0x3FFE];
	[sflag:s23] =	ssyncadd.s32 $0xFFFFFFFF  }
0xa5: {  	s26 =	simm.s32 $execute0_lowered;
	[smem:$0x3FD2] =	sst s25  }
0xa6: {  	s4 =	sshll.u32 s26, $0x1;
	_ =	strace $0x8000004C;
	[dreg:$0x1] =	wrdreg $0xFFFFFFFF  }
0xa7: {  	s28 =	simm.s32 $_size_execute0_lowered;
	s2 =	sadd.s32 s2, s4;
	[dreg:$0x0] =	wrdreg $0x0  }
0xa8: {  	s4 =	sshll.u32 s28, $0x1;
	[dreg:$0x2] =	wrdreg s2  }
0xa9: {  	[dreg:$0x3] =	wrdreg s4  }
0xaa: {  	[dreg:$0x4] =	wrdreg $0xC0  }
0xab: {  	_ =	task [dreg:s6], $0x5FFFF  }
0xac: {  	[dreg:$0x1] =	wrdreg $0xFFFFFFFF  }
0xad: {  	[dreg:$0x0] =	wrdreg $0x60  }
0xae: {  	[dreg:$0x2] =	wrdreg s24  }
0xaf: {  	[dreg:$0x3] =	wrdreg $0x90000  }
0xb0: {  	[dreg:$0x4] =	wrdreg $0x9  }
0xb1: {  	_ =	task.clear_ibuf [dreg:s6], $0x5FFFF;
	_ =	strace $0x9000004C  }
0xb2: {  	s29 =	simm.s32 $0x9;
	_ =	strace $0x8000004E  }
0xb3: {  	_ =	swait.ge [sflag:s29], $0x1  }
0xb4: {  	[sflag:s29] =	ssyncadd.s32 $0xFFFFFFFF  }
0xb5: {  	_ =	strace $0x9000004E  }
0xb6: {  	_ =	sfence  }
0xb7: {  	s30 =	sld [smem:$0x0];
	_ =	sdelay $0x2  }
0xb8: {  	s31 =	sshll.u32 s1, $0xD;
	s1 =	sshrl.u32 s1, $0x2  }
0xb9: {  	s3 =	sand.u32 $0x4000, s31;
	s1 =	sadd.s32 s1, s30  }
0xba: {  	s0 =	sor.u32 s3, s0;
	s1 =	sshll.u32 s1, $0x11  }
0xbb: {  	s0 =	sor.u32 s1, s0  }
0xbc: {  	s0 =	sadd.s32 $0x8F2B, s0  }
0xbd: {  	[sflag:s0] =	ssyncadd.remote.s32 $0x1  }
0xbe: {  	_ =	sfence.sel $0xFFFF  }
0xbf: {  	[dreg:$0x0] =	wrdreg $0xFFFFFFFF;
	(pc) =	sbr.abs _section_cstart, $3  }
0xc0: {  	[dreg:$0x1] =	wrdreg $0xFFFFFFFF  }
0xc1: {  	_ =	task.clear_ibuf [dreg:s6], $0x2FFFF;
	_ =	strace $0x9FFFFFFF  }
0xc2: {  	(tm) =	ssettm $0x7FFFFFFF  }
0xc3: {  	_ =	shalt  }
tec
execute0_lowered:
.L_overlay_start_1:
0x0: {  	(tag) =	ssettag $0x1  }
0x1: {  	s5 =	rddreg [dreg:$0x0]  }
0x2: {  	s2 =	rddreg [dreg:$0x1]  }
0x3: {  	s0 =	rddreg [dreg:$0x2];
	s4 =	srdreg.scid  }
0x4: {  	s1 =	stileid.u32;
	s3 =	simm.s32 $0x0;
	s14 =	simm.s32 $0x80  }
0x5: {  	s15 =	simm.s32 $0x5000;
	s16 =	simm.s32 $0x1;
	s17 =	simm.s32 $0x0  }
0x6: {  	s6 =	sand.u32 $0x1, s4;
	s7 =	smul.u32 $0x14000, s1;
	[smem:$0x7FF] =	sst s3  }
0x7: {  	s26 =	sshll.u32 s1, $0x1;
	s4 =	sadd.s32 $0x18600, s5;
	s10 =	smul.u32 $0x50000, s1  }
0x8: {  	s31 =	sshll.u32 s1, $0x6;
	s8 =	smul.u32 $0x140000, s6;
	s9 =	sor.u32 s6, s26  }
0x9: {  	_ =	strace $0x8000004D;
	s6 =	ssub.s32 $0x2, s6;
	s9 =	smul.u32 $0x500, s9  }
0xa: {  	s28 =	sshrl.u32 s6, $0x1;
	s29 =	sshrl.u32 s10, $0x2;
	s30 =	sshrl.u32 s7, $0x3  }
0xb: {  	s8 =	sadd.s32 s7, s8;
	s12 =	ssub.s32 s6, s28;
	s13 =	sadd.s32 s29, s2  }
0xc: {  	s6 =	sor.u32 $0x1C02, s31;
	s8 =	sshrl.u32 s8, $0x3;
	s9 =	sadd.s32 s9, s5  }
0xd: {  	s10 =	smax.u32 s12, $0x1;
	s12 =	simm.s32 $0x2;
	s11 =	sadd.s32 s8, s5  }
0xe: {  	s5 =	sadd.s32 s4, s30;
	s7 =	sadd.s32 $0x4600, s9;
	s8 =	sadd.s32 $0xE600, s9  }
0xf: {  	s9 =	sadd.s32 $0x40600, s11;
	s11 =	sshrl.u32 s13, $0x3;
	s13 =	simm.s32 $0x2800  }
.LBB2_1:
0x10: {  	[spmem:s11], [sflag:s6] =	dma.local [hbm:s5], $0x2800  }
0x11: {  	_ =	swait.ge [sflag:s12], $0x2800  }
0x12: {  	[sflag:s12] =	ssyncset.done $0x0  }
0x13: {  	[sflag:s12] =	ssyncadd.s32 $0xFFFFD800  }
0x14: {  	[tilespmem:s3], [sflag:$0x2] =	stream.linear.gather [hbm4b:s7+s3], $0x2800, $0x38;
	[tilespmem:$0x1D000] =	vst v63  }
0x15: {  	_ =	swait.ge [sflag:s12], $0x2800  }
0x16: {  	[sflag:s12] =	ssyncset.done $0x0  }
0x17: {  	[sflag:s12] =	ssyncadd.s32 $0xFFFFD800  }
0x18: {  	[tilespmem:s13], [sflag:$0x2] =	stream.linear.gather [hbm4b:s8+s3], $0x2800, $0x38;
	[tilespmem:$0x1D000] =	vst v63  }
0x19: {  	_ =	swait.ge [sflag:s12], $0x2800  }
0x1a: {  	[sflag:s12] =	ssyncset.done $0x0  }
0x1b: {  	[sflag:s12] =	ssyncadd.s32 $0xFFFFD800  }
0x1c: {  	s18 =	simm.s32 $0x0;
	[bflag:$0x0] =	sbarrier.arrive $0xFFFF  }
0x1d: {  	[tilespmem:s15], [sflag:$0x1] =	stream.indirect.gather [hbm4b:s4+s14], $0x80, s18, s14, $0xb8;
	[tilespmem:$0x1D000] =	vst v63  }
0x1e: {  	_ =	swait.ge [sflag:s16], $0x4000  }
0x1f: {  	[sflag:s16] =	ssyncset.done $0x0  }
0x20: {  	s31 =	simm.s32 $0x2800;
	[sflag:s16] =	ssyncadd.s32 $0xFFFFC000  }
0x21: {  	[spmem:s2] =	stream.indirect.scatter.add.f32 [tilespmem:s15], [sflag:$0x2], $0x80, s31, s14, $0xb8;
	[tilespmem:$0x1D000] =	vst v63  }
0x22: {  	_ =	swait.ge [sflag:s12], $0x4000  }
0x23: {  	s19 =	simm.s32 $0x400;
	s18 =	simm.s32 $0x200;
	[sflag:s12] =	ssyncset.done $0x0  }
.LBB2_2:
0x24: {  	s20 =	sshra.s32 s18, $0x2  }
0x25: {  	[sflag:s12] =	ssyncadd.s32 $0xFFFFC000;
	s18 =	smov.u32 s19;
	s21 =	sadd.s32 $0x200, s19  }
0x26: {  	[tilespmem:s15], [sflag:$0x1] =	stream.indirect.gather [hbm4b:s4+s14], $0x80, s20, s14, $0xb8;
	[tilespmem:$0x1D000] =	vst v63  }
0x27: {  	p0 =	sne.s32 s19, $0x9E00;
	_ =	swait.ge [sflag:s16], $0x4000  }
.Ltmp0:
0x28: {  	[sflag:s16] =	ssyncset.done $0x0;
	(pc) =	sbr.rel @p0 .LBB2_2-.Ltmp0, $4  }
0x29: {  	s19 =	sadd.s32 $0x2800, s20;
	[sflag:s16] =	ssyncadd.s32 $0xFFFFC000  }
0x2a: {  	[spmem:s2] =	stream.indirect.scatter.add.f32 [tilespmem:s15], [sflag:$0x2], $0x80, s19, s14, $0xb8;
	[tilespmem:$0x1D000] =	vst v63  }
0x2b: {  	_ =	swait.ge [sflag:s12], $0x4000  }
0x2c: {  	s19 =	smov.u32 s21;
	[sflag:s12] =	ssyncset.done $0x0  }
0x2d: {  	s18 =	sshra.s32 s18, $0x2;
	[sflag:s12] =	ssyncadd.s32 $0xFFFFC000  }
0x2e: {  	[tilespmem:s15], [sflag:$0x1] =	stream.indirect.gather [hbm4b:s4+s14], $0x80, s18, s14, $0xb8;
	[tilespmem:$0x1D000] =	vst v63  }
0x2f: {  	_ =	swait.ge [sflag:s16], $0x4000  }
0x30: {  	[sflag:s16] =	ssyncset.done $0x0  }
0x31: {  	s18 =	sadd.s32 $0x2800, s18;
	[sflag:s16] =	ssyncadd.s32 $0xFFFFC000  }
0x32: {  	[spmem:s2] =	stream.indirect.scatter.add.f32 [tilespmem:s15], [sflag:$0x2], $0x80, s18, s14, $0xb8;
	[tilespmem:$0x1D000] =	vst v63  }
0x33: {  	_ =	swait.ge [sflag:s12], $0x4000  }
0x34: {  	s17 =	sadd.s32 $0x1, s17;
	[sflag:s12] =	ssyncset.done $0x0  }
0x35: {  	p0 =	sne.s32 s17, s10;
	[sflag:s12] =	ssyncadd.s32 $0xFFFFC000  }
.Ltmp1:
0x36: {  	[bflag:$0x0] =	sbarrier.arrive $0xFFFF;
	(pc) =	sbr.rel @p0 .LBB2_1-.Ltmp1, $4  }
0x37: {  	[hbm:s9], [sflag:s6] =	dma.local [spmem:s11], $0x2800  }
0x38: {  	_ =	swait.ge [sflag:s12], $0x2800  }
0x39: {  	[sflag:s12] =	ssyncset.done $0x0  }
0x3a: {  	[sflag:s12] =	ssyncadd.s32 $0xFFFFD800  }
0x3b: {  	_ =	sfence.sel $0x180000  }
0x3c: {  	[bflag:$0x0] =	sbarrier.arrive $0xFFFF  }
0x3d: {  	p0 =	sne.s32 s1, $0x0;
	_ =	strace $0x9000004D  }
0x3e: {  	s0 =	sadd.s32 @!p0 $0x100000, s0;
	[bflag:$0x2] =	sbarrier.arrive $0xFFFF  }
0x3f: {  	[sflag:s0] =	ssyncadd.tile.s32 @!p0 $0x1;
	_ =	shalt  }
.Lfunc_end2:
_tile_overlayer_lowered:
.L_overlay_start_2:
0x40: {  	(tag) =	ssettag $0x2  }
0x41: {  	s0 =	rddreg [dreg:$0x0];
	s2 =	stileid.u32  }
0x42: {  	s1 =	rddreg [dreg:$0x1];
	p0 =	sne.s32 s2, $0x0  }
0x43: {  	s3 =	rddreg [dreg:$0x2];
	[bflag:$0x3] =	sbarrier.arrive $0xFFFF;
	s2 =	simm.s32 @!p0 $0x1C02  }
0x44: {  	[timem:s3], [sflag:s2] =	dma.local @!p0 [hbm:s0], s1  }
0x45: {  	s0 =	simm.s32 @!p0 $0x2  }
0x46: {  	_ =	swait.ge @!p0 [sflag:s0], s1  }
0x47: {  	s1 =	ssub.s32 @!p0 $0x0, s1;
	[sflag:s0] =	ssyncset.done @!p0 $0x0  }
0x48: {  	[sflag:s0] =	ssyncadd.s32 @!p0 s1  }
0x49: {  	[bflag:$0x3] =	sbarrier.arrive $0xFFFF  }
0x4a: {  	_ =	shalt  }

// kernel: kernel.8.cloned.1.call-start
scs
__scs_entry_jumppad:
0x0: {  	(pc) =	sbr.rel $0x88, $3  }
0x1: {  	(tag) =	ssettag $0x0;
	lr =	simm.s32 $0x1  }
0x2: {  	[smem:$0x3F90] =	sst lr;
	_ =	strace $0xD0000000  }
0x3: {  	_ = 	snop  }
0x4: {  	_ = 	snop  }
0x5: {  	_ = 	snop  }
0x6: {  	_ = 	snop  }
0x7: {  	_ = 	snop  }
__scs_overlays_trampoline_lowered:
0x8: {  	[smem:$0x3F9F] =	sst s0  }
0x9: {  	[smem:$0x3FA0] =	sst s1  }
0xa: {  	[smem:$0x3FA1] =	sst s2  }
0xb: {  	[smem:$0x3FA2] =	sst s3  }
0xc: {  	[smem:$0x3FA3] =	sst s4  }
0xd: {  	[smem:$0x3FA4] =	sst s5  }
0xe: {  	[smem:$0x3FA5] =	sst s6  }
0xf: {  	[smem:$0x3FA6] =	sst s7  }
0x10: {  	[smem:$0x3FA7] =	sst s8  }
0x11: {  	[smem:$0x3FA8] =	sst s9;
	s0 =	simm.s32 @!p0 $0x0  }
0x12: {  	s1 =	sld [smem:$0x3F8E];
	s0 =	simm.s32 @p0 $0x1  }
0x13: {  	[smem:$0x3FA9] =	sst s0;
	s0 =	simm.s32 @!p1 $0x0  }
0x14: {  	s2 =	sld [smem:$0x3F8D];
	s0 =	simm.s32 @p1 $0x1  }
0x15: {  	[smem:$0x3FAA] =	sst s0;
	s0 =	simm.s32 @!p2 $0x0  }
0x16: {  	s3 =	sld [smem:$0x3FDB];
	s0 =	simm.s32 @p2 $0x1  }
0x17: {  	s4 =	simm.s32 $0x1BF5;
	[smem:$0x3FAC] =	sst s0  }
0x18: {  	s0 =	sld [smem:$0x3F8F];
	_ =	swait.ge [sflag:s4], $0x0  }
0x19: {  	s7 =	sld [smem:$0x3F90]  }
0x1a: {  	s8 =	sadd.s32 $0xFFFFE003, lr  }
0x1b: {  	s9 =	sadd.s32 $0xFFFFFEF7, lr;
	s5 =	simm.s32 $0xFFFFFFFF;
	p2 =	slt.u32 s8, $0xFFFFF086  }
0x1c: {  	p1 =	slt.u32 s9, $0xF7A;
	s5 =	simm.s32 @!p2 $0x0  }
0x1d: {  	s5 =	simm.s32 @p1 $0x1;
	p0 =	seq.s32 s7, s2  }
0x1e: {  	s7 =	smul.u32 @!p0 $0xF7A, s2;
	p2 =	seq.s32 @!p0 s5, $0x0  }
0x1f: {  	s9 =	smul.u32 $0xF7A, s1;
	s8 =	simm.s32 @!p0 $0x1BF5;
	p2 =	por !p2, p0  }
0x20: {  	[sflag:s8] =	ssyncset.s32 @!p0 $0xFFFFF086;
	s6 =	sadd.s32 @!p0 s3, s7;
	s7 =	simm.s32 @!p0 $0x108  }
0x21: {  	s3 =	sadd.s32 s3, s9;
	s6 =	sadd.s32 @!p0 $0x88, s6;
	s7 =	simm.s32 @p2 $0x1082  }
0x22: {  	[simem:s7], [sflag:s8] =	dma.local @!p0 [hbm:s6], $0xF7A  }
0x23: {  	s9 =	sor.u32 $0xD0000000, s2;
	s6 =	simm.s32 $0x108;
	_ =	swait.ge @!p0 [sflag:s8], $0x0  }
0x24: {  	s3 =	sadd.s32 $0x88, s3;
	s6 =	simm.s32 @!p1 $0x1082;
	[sflag:s4] =	ssyncset.s32 $0xFFFFF086  }
0x25: {  	[simem:s6], [sflag:s4] =	dma.local [hbm:s3], $0xF7A  }
0x26: {  	[smem:$0x3F90] =	sst s1;
	(tag) =	ssettag s2;
	_ =	strace s9  }
0x27: {  	s1 =	sld [smem:$0x3FA0]  }
0x28: {  	s2 =	sld [smem:$0x3FA1]  }
0x29: {  	s4 =	sld [smem:$0x3FA3]  }
0x2a: {  	p0 =	seq.s32 s5, $0x0;
	s5 =	sld [smem:$0x3FA4]  }
0x2b: {  	s6 =	sld [smem:$0x3FA5]  }
0x2c: {  	s7 =	sld [smem:$0x3FA6]  }
0x2d: {  	s3 =	simm.s32 $0x108;
	s8 =	sld [smem:$0x3FA7]  }
0x2e: {  	s3 =	simm.s32 @!p0 $0x1082;
	s9 =	sld [smem:$0x3FA8]  }
0x2f: {  	lr =	sadd.s32 s0, s3;
	s0 =	sld [smem:$0x3F9F]  }
0x30: {  	s3 =	sld [smem:$0x3FA2]  }
0x31: {  	[smem:$0x3FAB] =	sst s10  }
0x32: {  	s10 =	sld [smem:$0x3FA9];
	_ =	sdelay $0x3  }
0x33: {  	p0 =	seq.s32 s10, $0x1;
	s10 =	sld [smem:$0x3FAB];
	_ =	sdelay $0x3  }
0x34: {  	[smem:$0x3FAB] =	sst s10  }
0x35: {  	s10 =	sld [smem:$0x3FAA];
	_ =	sdelay $0x3  }
0x36: {  	p1 =	seq.s32 s10, $0x1;
	s10 =	sld [smem:$0x3FAB];
	_ =	sdelay $0x3  }
0x37: {  	[smem:$0x3FAB] =	sst s10  }
0x38: {  	s10 =	sld [smem:$0x3FAC]  }
0x39: {  	_ = 	snop;
	(pc) =	sbr.ind lr, $3  }
0x3a: {  	_ = 	snop  }
0x3b: {  	_ = 	snop  }
0x3c: {  	p2 =	seq.s32 s10, $0x1;
	s10 =	sld [smem:$0x3FAB]  }
0x3d: {  	_ =	shalt  }
0x3e: {  	_ =	shalt  }
0x3f: {  	_ =	shalt  }
0x40: {  	_ =	shalt  }
0x41: {  	_ =	shalt  }
0x42: {  	_ =	shalt  }
0x43: {  	_ =	shalt  }
0x44: {  	_ =	shalt  }
0x45: {  	_ =	shalt  }
0x46: {  	_ =	shalt  }
0x47: {  	_ =	shalt  }
0x48: {  	_ =	shalt  }
0x49: {  	_ =	shalt  }
0x4a: {  	_ =	shalt  }
0x4b: {  	_ =	shalt  }
0x4c: {  	_ =	shalt  }
0x4d: {  	_ =	shalt  }
0x4e: {  	_ =	shalt  }
0x4f: {  	_ =	shalt  }
0x50: {  	_ =	shalt  }
0x51: {  	_ =	shalt  }
0x52: {  	_ =	shalt  }
0x53: {  	_ =	shalt  }
0x54: {  	_ =	shalt  }
0x55: {  	_ =	shalt  }
0x56: {  	_ =	shalt  }
0x57: {  	_ =	shalt  }
0x58: {  	_ =	shalt  }
0x59: {  	_ =	shalt  }
0x5a: {  	_ =	shalt  }
0x5b: {  	_ =	shalt  }
0x5c: {  	_ =	shalt  }
0x5d: {  	_ =	shalt  }
0x5e: {  	_ =	shalt  }
0x5f: {  	_ =	shalt  }
0x60: {  	_ =	shalt  }
0x61: {  	_ =	shalt  }
0x62: {  	_ =	shalt  }
0x63: {  	_ =	shalt  }
0x64: {  	_ =	shalt  }
0x65: {  	_ =	shalt  }
0x66: {  	_ =	shalt  }
0x67: {  	_ =	shalt  }
0x68: {  	_ =	shalt  }
0x69: {  	_ =	shalt  }
0x6a: {  	_ =	shalt  }
0x6b: {  	_ =	shalt  }
0x6c: {  	_ =	shalt  }
0x6d: {  	_ =	shalt  }
0x6e: {  	_ =	shalt  }
0x6f: {  	_ =	shalt  }
0x70: {  	_ =	shalt  }
0x71: {  	_ =	shalt  }
0x72: {  	_ =	shalt  }
0x73: {  	_ =	shalt  }
0x74: {  	_ =	shalt  }
0x75: {  	_ =	shalt  }
0x76: {  	_ =	shalt  }
0x77: {  	_ =	shalt  }
0x78: {  	_ =	shalt  }
0x79: {  	_ =	shalt  }
0x7a: {  	_ =	shalt  }
0x7b: {  	_ =	shalt  }
0x7c: {  	_ =	shalt  }
0x7d: {  	_ =	shalt  }
0x7e: {  	_ =	shalt  }
0x7f: {  	_ =	shalt  }
0x80: {  	_ =	shalt  }
0x81: {  	_ =	shalt  }
0x82: {  	_ =	shalt  }
0x83: {  	_ =	shalt  }
0x84: {  	_ =	shalt  }
0x85: {  	_ =	shalt  }
0x86: {  	_ =	shalt  }
0x87: {  	_ =	shalt  }
.Lfunc_end0:
.L_simem_size_0:
called_computation_lowered:
.L_overlay_start_0:
0x88: {  	s2 =	sld [smem:$0x3FD9]  }
0x89: {  	s3 =	sld [smem:$0x3FFE];
	_ =	sdelay $0x1  }
0x8a: {  	s1 =	srdreg.scid  }
0x8b: {  	s0 =	sand.u32 $0x1, s1  }
0x8c: {  	s16 =	sshll.u32 s0, $0xA;
	s2 =	sadd.s32 s3, s2  }
0x8d: {  	s2 =	sadd.s32 s2, s16  }
0x8e: {  	[smem:$0x3FB7] =	sst s2  }
0x8f: {  	_ = 	snop  }
0x90: {  	(tm) =	ssettm $0x1  }
0x91: {  	s17 =	sld [smem:$0x3FFB];
	_ =	sdelay $0x3  }
0x92: {  	_ =	strace s17  }
0x93: {  	s2 =	sld [smem:$0x3FFC];
	_ =	sdelay $0x3  }
0x94: {  	_ =	strace s2  }
0x95: {  	s2 =	sld [smem:$0x3FFD];
	_ =	sdelay $0x3  }
0x96: {  	_ =	strace s2  }
0x97: {  	_ =	strace $0x8FFFFFFF  }
0x98: {  	s18 =	sld [smem:$0x3FDB];
	_ =	sdelay $0x1  }
0x99: {  	s19 =	simm.s32 $_scs_section_size  }
0x9a: {  	s4 =	simm.s32 $_size__tile_overlayer_lowered;
	s5 =	simm.s32 $_tile_overlayer_lowered  }
0x9b: {  	s22 =	simm.s32 $0x1BFF;
	s21 =	sshll.u32 s5, $0x1;
	s2 =	sadd.s32 s19, s18  }
0x9c: {  	s6 =	simm.s32 $0x0;
	s20 =	sshll.u32 s4, $0x1;
	s4 =	sadd.s32 s21, s2  }
0x9d: {  	[timem:s6], [sflag:s22] =	dma.local [hbm:s4], s20  }
0x9e: {  	_ =	swait.ge [sflag:s22], s20  }
0x9f: {  	s3 =	ssub.s32 $0x0, s20;
	[sflag:s22] =	ssyncset.done $0x0  }
0xa0: {  	[sflag:s22] =	ssyncadd.s32 s3;
	_ =	sdelay $0x1  }
0xa1: {  	s23 =	simm.s32 $0x1B8B  }
0xa2: {  	_ =	swait.ge [sflag:s23], $0x1  }
0xa3: {  	[sflag:s23] =	ssyncset.done $0x0  }
0xa4: {  	s25 =	simm.s32 $0x1B8E;
	s24 =	sld [smem:$0x3FFE];
	[sflag:s23] =	ssyncadd.s32 $0xFFFFFFFF  }
0xa5: {  	s26 =	simm.s32 $execute0_lowered;
	[smem:$0x3FD2] =	sst s25  }
0xa6: {  	s4 =	sshll.u32 s26, $0x1;
	_ =	strace $0x80000046;
	[dreg:$0x1] =	wrdreg $0xFFFFFFFF  }
0xa7: {  	s28 =	simm.s32 $_size_execute0_lowered;
	s2 =	sadd.s32 s2, s4;
	[dreg:$0x0] =	wrdreg $0x0  }
0xa8: {  	s4 =	sshll.u32 s28, $0x1;
	[dreg:$0x2] =	wrdreg s2  }
0xa9: {  	[dreg:$0x3] =	wrdreg s4  }
0xaa: {  	[dreg:$0x4] =	wrdreg $0xC0  }
0xab: {  	_ =	task [dreg:s6], $0x5FFFF  }
0xac: {  	[dreg:$0x1] =	wrdreg $0xFFFFFFFF  }
0xad: {  	[dreg:$0x0] =	wrdreg $0x60  }
0xae: {  	[dreg:$0x2] =	wrdreg s24  }
0xaf: {  	[dreg:$0x3] =	wrdreg $0x90000  }
0xb0: {  	[dreg:$0x4] =	wrdreg $0x9  }
0xb1: {  	_ =	task.clear_ibuf [dreg:s6], $0x5FFFF;
	_ =	strace $0x90000046  }
0xb2: {  	s29 =	simm.s32 $0x9;
	_ =	strace $0x80000048  }
0xb3: {  	_ =	swait.ge [sflag:s29], $0x1  }
0xb4: {  	[sflag:s29] =	ssyncadd.s32 $0xFFFFFFFF  }
0xb5: {  	_ =	strace $0x90000048  }
0xb6: {  	_ =	sfence  }
0xb7: {  	s30 =	sld [smem:$0x0];
	_ =	sdelay $0x2  }
0xb8: {  	s31 =	sshll.u32 s1, $0xD;
	s1 =	sshrl.u32 s1, $0x2  }
0xb9: {  	s3 =	sand.u32 $0x4000, s31;
	s1 =	sadd.s32 s1, s30  }
0xba: {  	s0 =	sor.u32 s3, s0;
	s1 =	sshll.u32 s1, $0x11  }
0xbb: {  	s0 =	sor.u32 s1, s0  }
0xbc: {  	s0 =	sadd.s32 $0x8F2B, s0  }
0xbd: {  	[sflag:s0] =	ssyncadd.remote.s32 $0x1  }
0xbe: {  	_ =	sfence.sel $0xFFFF  }
0xbf: {  	[dreg:$0x0] =	wrdreg $0xFFFFFFFF;
	(pc) =	sbr.abs _section_cstart, $3  }
0xc0: {  	[dreg:$0x1] =	wrdreg $0xFFFFFFFF  }
0xc1: {  	_ =	task.clear_ibuf [dreg:s6], $0x2FFFF;
	_ =	strace $0x9FFFFFFF  }
0xc2: {  	(tm) =	ssettm $0x7FFFFFFF  }
0xc3: {  	_ =	shalt  }
tec
execute0_lowered:
.L_overlay_start_1:
0x0: {  	(tag) =	ssettag $0x1  }
0x1: {  	s5 =	rddreg [dreg:$0x0]  }
0x2: {  	s2 =	rddreg [dreg:$0x1]  }
0x3: {  	s0 =	rddreg [dreg:$0x2];
	s4 =	srdreg.scid  }
0x4: {  	s1 =	stileid.u32;
	s3 =	simm.s32 $0x0;
	s14 =	simm.s32 $0x80  }
0x5: {  	s15 =	simm.s32 $0x5000;
	s16 =	simm.s32 $0x1;
	s17 =	simm.s32 $0x0  }
0x6: {  	s6 =	sand.u32 $0x1, s4;
	s7 =	smul.u32 $0x14000, s1;
	[smem:$0x7FF] =	sst s3  }
0x7: {  	s26 =	sshll.u32 s1, $0x1;
	s4 =	sadd.s32 $0x18600, s5;
	s10 =	smul.u32 $0x50000, s1  }
0x8: {  	s31 =	sshll.u32 s1, $0x6;
	s8 =	smul.u32 $0x140000, s6;
	s9 =	sor.u32 s6, s26  }
0x9: {  	_ =	strace $0x80000047;
	s6 =	ssub.s32 $0x2, s6;
	s9 =	smul.u32 $0x500, s9  }
0xa: {  	s28 =	sshrl.u32 s6, $0x1;
	s29 =	sshrl.u32 s10, $0x2;
	s30 =	sshrl.u32 s7, $0x3  }
0xb: {  	s8 =	sadd.s32 s7, s8;
	s12 =	ssub.s32 s6, s28;
	s13 =	sadd.s32 s29, s2  }
0xc: {  	s6 =	sor.u32 $0x1C02, s31;
	s8 =	sshrl.u32 s8, $0x3;
	s9 =	sadd.s32 s9, s5  }
0xd: {  	s10 =	smax.u32 s12, $0x1;
	s12 =	simm.s32 $0x2;
	s11 =	sadd.s32 s8, s5  }
0xe: {  	s5 =	sadd.s32 s4, s30;
	s7 =	sadd.s32 $0x4600, s9;
	s8 =	sadd.s32 $0xE600, s9  }
0xf: {  	s9 =	sadd.s32 $0x40600, s11;
	s11 =	sshrl.u32 s13, $0x3;
	s13 =	simm.s32 $0x2800  }
.LBB2_1:
0x10: {  	[spmem:s11], [sflag:s6] =	dma.local [hbm:s5], $0x2800  }
0x11: {  	_ =	swait.ge [sflag:s12], $0x2800  }
0x12: {  	[sflag:s12] =	ssyncset.done $0x0  }
0x13: {  	[sflag:s12] =	ssyncadd.s32 $0xFFFFD800  }
0x14: {  	[tilespmem:s3], [sflag:$0x2] =	stream.linear.gather [hbm4b:s7+s3], $0x2800, $0x38;
	[tilespmem:$0x1D000] =	vst v63  }
0x15: {  	_ =	swait.ge [sflag:s12], $0x2800  }
0x16: {  	[sflag:s12] =	ssyncset.done $0x0  }
0x17: {  	[sflag:s12] =	ssyncadd.s32 $0xFFFFD800  }
0x18: {  	[tilespmem:s13], [sflag:$0x2] =	stream.linear.gather [hbm4b:s8+s3], $0x2800, $0x38;
	[tilespmem:$0x1D000] =	vst v63  }
0x19: {  	_ =	swait.ge [sflag:s12], $0x2800  }
0x1a: {  	[sflag:s12] =	ssyncset.done $0x0  }
0x1b: {  	[sflag:s12] =	ssyncadd.s32 $0xFFFFD800  }
0x1c: {  	s18 =	simm.s32 $0x0;
	[bflag:$0x0] =	sbarrier.arrive $0xFFFF  }
0x1d: {  	[tilespmem:s15], [sflag:$0x1] =	stream.indirect.gather [hbm4b:s4+s14], $0x80, s18, s14, $0xb8;
	[tilespmem:$0x1D000] =	vst v63  }
0x1e: {  	_ =	swait.ge [sflag:s16], $0x4000  }
0x1f: {  	[sflag:s16] =	ssyncset.done $0x0  }
0x20: {  	s31 =	simm.s32 $0x2800;
	[sflag:s16] =	ssyncadd.s32 $0xFFFFC000  }
0x21: {  	[spmem:s2] =	stream.indirect.scatter.add.f32 [tilespmem:s15], [sflag:$0x2], $0x80, s31, s14, $0xb8;
	[tilespmem:$0x1D000] =	vst v63  }
0x22: {  	_ =	swait.ge [sflag:s12], $0x4000  }
0x23: {  	s19 =	simm.s32 $0x400;
	s18 =	simm.s32 $0x200;
	[sflag:s12] =	ssyncset.done $0x0  }
.LBB2_2:
0x24: {  	s20 =	sshra.s32 s18, $0x2  }
0x25: {  	[sflag:s12] =	ssyncadd.s32 $0xFFFFC000;
	s18 =	smov.u32 s19;
	s21 =	sadd.s32 $0x200, s19  }
0x26: {  	[tilespmem:s15], [sflag:$0x1] =	stream.indirect.gather [hbm4b:s4+s14], $0x80, s20, s14, $0xb8;
	[tilespmem:$0x1D000] =	vst v63  }
0x27: {  	p0 =	sne.s32 s19, $0x9E00;
	_ =	swait.ge [sflag:s16], $0x4000  }
.Ltmp0:
0x28: {  	[sflag:s16] =	ssyncset.done $0x0;
	(pc) =	sbr.rel @p0 .LBB2_2-.Ltmp0, $4  }
0x29: {  	s19 =	sadd.s32 $0x2800, s20;
	[sflag:s16] =	ssyncadd.s32 $0xFFFFC000  }
0x2a: {  	[spmem:s2] =	stream.indirect.scatter.add.f32 [tilespmem:s15], [sflag:$0x2], $0x80, s19, s14, $0xb8;
	[tilespmem:$0x1D000] =	vst v63  }
0x2b: {  	_ =	swait.ge [sflag:s12], $0x4000  }
0x2c: {  	s19 =	smov.u32 s21;
	[sflag:s12] =	ssyncset.done $0x0  }
0x2d: {  	s18 =	sshra.s32 s18, $0x2;
	[sflag:s12] =	ssyncadd.s32 $0xFFFFC000  }
0x2e: {  	[tilespmem:s15], [sflag:$0x1] =	stream.indirect.gather [hbm4b:s4+s14], $0x80, s18, s14, $0xb8;
	[tilespmem:$0x1D000] =	vst v63  }
0x2f: {  	_ =	swait.ge [sflag:s16], $0x4000  }
0x30: {  	[sflag:s16] =	ssyncset.done $0x0  }
0x31: {  	s18 =	sadd.s32 $0x2800, s18;
	[sflag:s16] =	ssyncadd.s32 $0xFFFFC000  }
0x32: {  	[spmem:s2] =	stream.indirect.scatter.add.f32 [tilespmem:s15], [sflag:$0x2], $0x80, s18, s14, $0xb8;
	[tilespmem:$0x1D000] =	vst v63  }
0x33: {  	_ =	swait.ge [sflag:s12], $0x4000  }
0x34: {  	s17 =	sadd.s32 $0x1, s17;
	[sflag:s12] =	ssyncset.done $0x0  }
0x35: {  	p0 =	sne.s32 s17, s10;
	[sflag:s12] =	ssyncadd.s32 $0xFFFFC000  }
.Ltmp1:
0x36: {  	[bflag:$0x0] =	sbarrier.arrive $0xFFFF;
	(pc) =	sbr.rel @p0 .LBB2_1-.Ltmp1, $4  }
0x37: {  	[hbm:s9], [sflag:s6] =	dma.local [spmem:s11], $0x2800  }
0x38: {  	_ =	swait.ge [sflag:s12], $0x2800  }
0x39: {  	[sflag:s12] =	ssyncset.done $0x0  }
0x3a: {  	[sflag:s12] =	ssyncadd.s32 $0xFFFFD800  }
0x3b: {  	_ =	sfence.sel $0x180000  }
0x3c: {  	[bflag:$0x0] =	sbarrier.arrive $0xFFFF  }
0x3d: {  	p0 =	sne.s32 s1, $0x0;
	_ =	strace $0x90000047  }
0x3e: {  	s0 =	sadd.s32 @!p0 $0x100000, s0;
	[bflag:$0x2] =	sbarrier.arrive $0xFFFF  }
0x3f: {  	[sflag:s0] =	ssyncadd.tile.s32 @!p0 $0x1;
	_ =	shalt  }
.Lfunc_end2:
_tile_overlayer_lowered:
.L_overlay_start_2:
0x40: {  	(tag) =	ssettag $0x2  }
0x41: {  	s0 =	rddreg [dreg:$0x0];
	s2 =	stileid.u32  }
0x42: {  	s1 =	rddreg [dreg:$0x1];
	p0 =	sne.s32 s2, $0x0  }
0x43: {  	s3 =	rddreg [dreg:$0x2];
	[bflag:$0x3] =	sbarrier.arrive $0xFFFF;
	s2 =	simm.s32 @!p0 $0x1C02  }
0x44: {  	[timem:s3], [sflag:s2] =	dma.local @!p0 [hbm:s0], s1  }
0x45: {  	s0 =	simm.s32 @!p0 $0x2  }
0x46: {  	_ =	swait.ge @!p0 [sflag:s0], s1  }
0x47: {  	s1 =	ssub.s32 @!p0 $0x0, s1;
	[sflag:s0] =	ssyncset.done @!p0 $0x0  }
0x48: {  	[sflag:s0] =	ssyncadd.s32 @!p0 s1  }
0x49: {  	[bflag:$0x3] =	sbarrier.arrive $0xFFFF  }
0x4a: {  	_ =	shalt  }

</sc_bundles>
